<compile_context>
chip_gen: v7x
topology: tpu7x:2x2x1
jax: 0.10.2.dev20260603
libtpu: 0.0.44.dev20260713+nightly
codegen_flags: <defaults>
</compile_context>

<pallas_src>
import functools

import jax
import jax.numpy as jnp
from jax import lax
from jax.experimental import pallas as pl
from jax.experimental.pallas import tpu as pltpu
from jax.experimental.pallas import tpu_sc as plsc

N = 10000
C = 128
E = 320000
NP = 10240
TRASH = 10016

NC = 2
NS = 16
NW = NC * NS
CH = 128
CPW = 80
NB = 2
HALF = CPW // 2
EP = NW * CPW * CH
ZR = NP // NS

BR = 1024
GRID = NP // BR

_f32 = jnp.float32
_mesh = plsc.VectorSubcoreMesh(core_axis_name="c", subcore_axis_name="s")


def _make_scatter(with_deg: bool):
    out_type = [jax.ShapeDtypeStruct((NC, NP, C), _f32)]
    scratch = (
        [pltpu.VMEM_SHARED((NP, C), _f32)]
        + [pltpu.VMEM((HALF, 2, CH), jnp.int32)]
        + [pltpu.VMEM((CH, C), _f32)] * NB
        + [pltpu.SemaphoreType.DMA] * NB
    )
    if with_deg:
        out_type.append(jax.ShapeDtypeStruct((NC, NP), _f32))
        scratch += [
            pltpu.VMEM_SHARED((NP,), _f32),
            pltpu.VMEM((CH,), _f32),
        ]

    def body(z_hbm, ei_hbm, zrows_hbm, zvec_hbm, *rest):
        if with_deg:
            acc_out, deg_out = rest[0], rest[1]
            k = 2
        else:
            (acc_out,) = rest[:1]
            k = 1
        slab = rest[k + 1]
        rows = list(rest[k + 2:k + 2 + NB])
        sems = list(rest[k + 2 + NB:k + 2 + 2 * NB])
        acc_sh = rest[k]
        if with_deg:
            deg_sh, ones_v = rest[k + 2 + 2 * NB], rest[k + 3 + 2 * NB]
        cid = lax.axis_index("c")
        sid = lax.axis_index("s")
        wid = cid * NS + sid

        pltpu.sync_copy(zrows_hbm, acc_sh.at[pl.ds(sid * ZR, ZR)])
        if with_deg:
            pltpu.sync_copy(zvec_hbm, deg_sh.at[pl.ds(sid * ZR, ZR)])
            for i in range(CH // 16):
                ones_v[pl.ds(i * 16, 16)] = jnp.full((16,), 1.0, _f32)
        plsc.subcore_barrier()

        base = wid * CPW

        def gather(j, b):
            pltpu.async_copy(z_hbm.at[slab.at[j, 0]], rows[b], sems[b])

        def gather_wait(b):
            pltpu.make_async_copy(z_hbm.at[slab.at[0, 0]], rows[b], sems[b]).wait()

        def consume(j, b):
            gather_wait(b)
            pltpu.sync_copy(rows[b], acc_sh.at[slab.at[j, 1]], add=True)
            if with_deg:
                pltpu.sync_copy(ones_v, deg_sh.at[slab.at[j, 1]], add=True)

        for h in range(2):
            pltpu.sync_copy(ei_hbm.at[pl.ds(base + h * HALF, HALF)], slab)
            for b in range(NB):
                gather(b, b)

            def group(g, carry):
                for b in range(NB):
                    j = g * NB + b
                    consume(j, b)
                    gather(j + NB, b)
                return carry

            lax.fori_loop(0, (HALF - NB) // NB, group, 0)
            for b in range(NB):
                consume(HALF - NB + b, b)
        plsc.subcore_barrier()

        pltpu.sync_copy(acc_sh.at[pl.ds(sid * ZR, ZR)],
                        acc_out.at[cid, pl.ds(sid * ZR, ZR)])
        if with_deg:
            pltpu.sync_copy(deg_sh.at[pl.ds(sid * ZR, ZR)],
                            deg_out.at[cid, pl.ds(sid * ZR, ZR)])

    return pl.kernel(body, out_type=out_type, mesh=_mesh,
                     scratch_types=scratch)


_scatter_deg = _make_scatter(True)
_scatter = _make_scatter(False)


def _dense_in_body(x_ref, wl_ref, wr_ref, b_ref, z_ref, r_ref):
    xb = x_ref[...]
    z_ref[...] = jnp.dot(xb, wl_ref[...], preferred_element_type=_f32)
    r_ref[...] = jnp.dot(xb, wr_ref[...], preferred_element_type=_f32) + b_ref[...]


_dense_in = pl.pallas_call(
    _dense_in_body,
    grid=(GRID,),
    in_specs=[
        pl.BlockSpec((BR, C), lambda i: (i, 0)),
        pl.BlockSpec((C, C), lambda i: (0, 0)),
        pl.BlockSpec((C, C), lambda i: (0, 0)),
        pl.BlockSpec((1, C), lambda i: (0, 0)),
    ],
    out_specs=[
        pl.BlockSpec((BR, C), lambda i: (i, 0)),
        pl.BlockSpec((BR, C), lambda i: (i, 0)),
    ],
    out_shape=[
        jax.ShapeDtypeStruct((NP, C), _f32),
        jax.ShapeDtypeStruct((NP, C), _f32),
    ],
)


def _combine(acc_ref, deg_ref, r_ref):
    d = jnp.maximum(deg_ref[0, :] + deg_ref[1, :], 1.0)
    agg = (acc_ref[0] + acc_ref[1]) / d[:, None]
    return agg + r_ref[...]


def _dense_mid_body(acc_ref, deg_ref, r_ref, wl_ref, wr_ref, b_ref,
                    z_ref, r2_ref):
    h = jnp.maximum(_combine(acc_ref, deg_ref, r_ref), 0.0)
    z_ref[...] = jnp.dot(h, wl_ref[...], preferred_element_type=_f32)
    r2_ref[...] = jnp.dot(h, wr_ref[...], preferred_element_type=_f32) + b_ref[...]


_dense_mid = pl.pallas_call(
    _dense_mid_body,
    grid=(GRID,),
    in_specs=[
        pl.BlockSpec((NC, BR, C), lambda i: (0, i, 0)),
        pl.BlockSpec((NC, BR), lambda i: (0, i)),
        pl.BlockSpec((BR, C), lambda i: (i, 0)),
        pl.BlockSpec((C, C), lambda i: (0, 0)),
        pl.BlockSpec((C, C), lambda i: (0, 0)),
        pl.BlockSpec((1, C), lambda i: (0, 0)),
    ],
    out_specs=[
        pl.BlockSpec((BR, C), lambda i: (i, 0)),
        pl.BlockSpec((BR, C), lambda i: (i, 0)),
    ],
    out_shape=[
        jax.ShapeDtypeStruct((NP, C), _f32),
        jax.ShapeDtypeStruct((NP, C), _f32),
    ],
)


def _dense_out_body(acc_ref, deg_ref, r_ref, o_ref):
    o = _combine(acc_ref, deg_ref, r_ref)
    m = jnp.max(o, axis=-1, keepdims=True)
    s = jnp.sum(jnp.exp(o - m), axis=-1, keepdims=True)
    o_ref[...] = (o - m) - jnp.log(s)


_dense_out = pl.pallas_call(
    _dense_out_body,
    grid=(GRID,),
    in_specs=[
        pl.BlockSpec((NC, BR, C), lambda i: (0, i, 0)),
        pl.BlockSpec((NC, BR), lambda i: (0, i)),
        pl.BlockSpec((BR, C), lambda i: (i, 0)),
    ],
    out_specs=pl.BlockSpec((BR, C), lambda i: (i, 0)),
    out_shape=jax.ShapeDtypeStruct((NP, C), _f32),
)


@jax.jit
def kernel(x, edge_index, W1_l, W1_r, b1, W2_l, W2_r, b2):
    src = edge_index[0].astype(jnp.int32)
    dst = edge_index[1].astype(jnp.int32)
    pad = EP - E
    src_p = jnp.concatenate([src, jnp.zeros((pad,), jnp.int32)]).reshape(NW * CPW, 1, CH)
    dst_p = jnp.concatenate([dst, jnp.full((pad,), TRASH, jnp.int32)]).reshape(NW * CPW, 1, CH)
    ei_p = jnp.concatenate([src_p, dst_p], axis=1)
    x_p = jnp.concatenate([x, jnp.zeros((NP - N, C), _f32)], axis=0)
    zrows = jnp.zeros((ZR, C), _f32)
    zvec = jnp.zeros((ZR,), _f32)
    b1r = b1.reshape(1, C)
    b2r = b2.reshape(1, C)

    z1, r1 = _dense_in(x_p, W1_l, W1_r, b1r)
    acc1, deg = _scatter_deg(z1, ei_p, zrows, zvec)
    z2, r2 = _dense_mid(acc1, deg, r1, W2_l, W2_r, b2r)
    (acc2,) = _scatter(z2, ei_p, zrows, zvec)
    out = _dense_out(acc2, deg, r2)
    return out[:N]

# --- scband reference (transcript-rebuilt; emitter-appended) ---
"""Pipeline reference for scband-graph-sage-39195871543849 (READ-ONLY COPY).

The authoritative reference and input builder live on the scoring server;
editing this copy changes nothing except your own understanding.
"""

import jax, jax.numpy as jnp
import numpy as np

N_NODES = 10000
N_EDGES = 320000
IN_CH = 128
HID_CH = 128
OUT_CH = 128


def setup_inputs(seed: int = 0) -> dict:
    key = jax.random.key(seed)
    ks = jax.random.split(key, 8)
    x = jax.random.normal(ks[0], (N_NODES, IN_CH), dtype=jnp.float32)
    edge_index = jax.random.randint(ks[1], (2, N_EDGES), 0, N_NODES, dtype=jnp.int64)
    def glorot(k, shape):
        lim = float(np.sqrt(6.0 / (shape[0] + shape[1])))
        return jax.random.uniform(k, shape, dtype=jnp.float32, minval=-lim, maxval=lim)
    W1_l = glorot(ks[2], (IN_CH, HID_CH))
    W1_r = glorot(ks[3], (IN_CH, HID_CH))
    b1 = jnp.zeros((HID_CH,), dtype=jnp.float32)
    W2_l = glorot(ks[4], (HID_CH, OUT_CH))
    W2_r = glorot(ks[5], (HID_CH, OUT_CH))
    b2 = jnp.zeros((OUT_CH,), dtype=jnp.float32)
    return {"x": x, "edge_index": edge_index, "W1_l": W1_l, "W1_r": W1_r, "b1": b1, "W2_l": W2_l, "W2_r": W2_r, "b2": b2}


def _sage_conv(x, edge_index, W_l, W_r, b):
    # PyG SAGEConv with mean aggregation:
    # out_i = W_l * mean_{j in N(i)} x_j + W_r * x_i + b
    src = edge_index[0]
    dst = edge_index[1]
    n = x.shape[0]
    msgs = jnp.take(x, src, axis=0)
    agg = jax.ops.segment_sum(msgs, dst, num_segments=n)
    deg = jax.ops.segment_sum(jnp.ones((edge_index.shape[1],), x.dtype), dst, num_segments=n)
    agg = agg / jnp.clip(deg, 1.0, None)[:, None]
    return agg @ W_l + x @ W_r + b


def reference(x, edge_index, W1_l, W1_r, b1, W2_l, W2_r, b2):
    h = _sage_conv(x, edge_index, W1_l, W1_r, b1)
    h = jax.nn.relu(h)
    h = _sage_conv(h, edge_index, W2_l, W2_r, b2)
    return jax.nn.log_softmax(h, axis=-1)

if __name__ == "__main__":
    import jax
    _d = setup_inputs()
    print(jax.jit(kernel)(*tuple(_d.values())))

</pallas_src>

<mosaic_0001>
#map = affine_map<(d0, d1) -> (0, 0)>
#map1 = affine_map<(d0, d1) -> (0, 0, 0)>
#map2 = affine_map<(d0, d1) -> (0)>
module attributes {stable_mosaic.version = 14 : i64} {
  func.func @body(%arg0: i32, %arg1: i32, %arg2: memref<10240x128xf32, #tpu.memory_space<hbm>>, %arg3: memref<2560x2x128xi32, #tpu.memory_space<hbm>>, %arg4: memref<640x128xf32, #tpu.memory_space<hbm>>, %arg5: memref<640xf32, #tpu.memory_space<hbm>>, %arg6: memref<2x10240x128xf32, #tpu.memory_space<hbm>>, %arg7: memref<2x10240xf32, #tpu.memory_space<hbm>>, %arg8: memref<10240x128xf32, #tpu.memory_space<vmem_shared>>, %arg9: memref<40x2x128xi32, #tpu.memory_space<vmem>>, %arg10: memref<128x128xf32, #tpu.memory_space<vmem>>, %arg11: memref<128x128xf32, #tpu.memory_space<vmem>>, %arg12: memref<!tpu.dma_semaphore, #tpu.memory_space<semaphore_mem>>, %arg13: memref<!tpu.dma_semaphore, #tpu.memory_space<semaphore_mem>>, %arg14: memref<10240xf32, #tpu.memory_space<vmem_shared>>, %arg15: memref<128xf32, #tpu.memory_space<vmem>>) attributes {dimension_semantics = [#tpu.dimension_semantics<core_parallel>, #tpu.dimension_semantics<subcore_parallel>], iteration_bounds = array<i64: 2, 16>, scalar_prefetch = 0 : i64, scratch_operands = 8 : i64, tpu.core_type = #tpu.core_type<sc_vector_subcore>, window_params = [{transform_indices = #map}, {transform_indices = #map1}, {transform_indices = #map}, {transform_indices = #map2}, {transform_indices = #map1}, {transform_indices = #map}]} {
    %mul3A = arith.constant 16 : i32
    %mul3A_0 = arith.muli %arg0, %mul3A : i32
    %add3A = arith.addi %mul3A_0, %arg1 : i32
    %mul3A_1 = arith.constant 640 : i32
    %mul3A_2 = arith.muli %arg1, %mul3A_1 : i32
    "tpu.region"() ({
      %run_scoped3A_154 = tpu.sem_alloc : memref<!tpu.dma_semaphore, #tpu.memory_space<semaphore_mem>>
      %dma_start3A_155 = arith.constant 0 : i32
      %dma_start3A_156 = tpu.memref_slice %arg8[%mul3A_2, %dma_start3A_155] : memref<10240x128xf32, #tpu.memory_space<vmem_shared>> -> memref<640x128xf32, #tpu.memory_space<vmem_shared>>
      tpu.enqueue_dma source(%arg4 : memref<640x128xf32, #tpu.memory_space<hbm>>) target(%dma_start3A_156 : memref<640x128xf32, #tpu.memory_space<vmem_shared>>) target_semaphore(%run_scoped3A_154 : memref<!tpu.dma_semaphore, #tpu.memory_space<semaphore_mem>>)
      %dma_wait3A_157 = arith.constant 0 : i32
      %dma_wait3A_158 = tpu.memref_slice %arg8[%mul3A_2, %dma_wait3A_157] : memref<10240x128xf32, #tpu.memory_space<vmem_shared>> -> memref<640x128xf32, #tpu.memory_space<vmem_shared>>
      tpu.wait_dma2 semaphore(%run_scoped3A_154 : memref<!tpu.dma_semaphore, #tpu.memory_space<semaphore_mem>>) src(%arg4 : memref<640x128xf32, #tpu.memory_space<hbm>>) dst(%dma_wait3A_158 : memref<640x128xf32, #tpu.memory_space<vmem_shared>>)
      tpu.yield
    }) : () -> ()
    %mul3A_3 = arith.constant 640 : i32
    %mul3A_4 = arith.muli %arg1, %mul3A_3 : i32
    "tpu.region"() ({
      %run_scoped3A_154 = tpu.sem_alloc : memref<!tpu.dma_semaphore, #tpu.memory_space<semaphore_mem>>
      %dma_start3A_155 = tpu.memref_slice %arg14[%mul3A_4] : memref<10240xf32, #tpu.memory_space<vmem_shared>> -> memref<640xf32, #tpu.memory_space<vmem_shared>>
      tpu.enqueue_dma source(%arg5 : memref<640xf32, #tpu.memory_space<hbm>>) target(%dma_start3A_155 : memref<640xf32, #tpu.memory_space<vmem_shared>>) target_semaphore(%run_scoped3A_154 : memref<!tpu.dma_semaphore, #tpu.memory_space<semaphore_mem>>)
      %dma_wait3A_156 = tpu.memref_slice %arg14[%mul3A_4] : memref<10240xf32, #tpu.memory_space<vmem_shared>> -> memref<640xf32, #tpu.memory_space<vmem_shared>>
      tpu.wait_dma2 semaphore(%run_scoped3A_154 : memref<!tpu.dma_semaphore, #tpu.memory_space<semaphore_mem>>) src(%arg5 : memref<640xf32, #tpu.memory_space<hbm>>) dst(%dma_wait3A_156 : memref<640xf32, #tpu.memory_space<vmem_shared>>)
      tpu.yield
    }) : () -> ()
    %broadcast_in_dim3A = arith.constant 1.000000e+00 : f32
    %broadcast_in_dim3A_5 = vector.broadcast %broadcast_in_dim3A : f32 to vector<16xf32>
    %swap3A = arith.constant 0 : index
    %swap3A_6 = tpu.vector_load %arg15[%swap3A] {strides = array<i32>} : memref<128xf32, #tpu.memory_space<vmem>>, vector<16xf32>,
    %swap3A_7 = vector.shape_cast %swap3A_6 : vector<16xf32> to vector<16xf32>
    %swap3A_8 = vector.shape_cast %broadcast_in_dim3A_5 : vector<16xf32> to vector<16xf32>
    tpu.vector_store %arg15[%swap3A], %swap3A_8 {strides = array<i32>} : memref<128xf32, #tpu.memory_space<vmem>>, vector<16xf32>,
    %broadcast_in_dim3A_9 = arith.constant 1.000000e+00 : f32
    %broadcast_in_dim3A_10 = vector.broadcast %broadcast_in_dim3A_9 : f32 to vector<16xf32>
    %swap3A_11 = arith.constant 16 : index
    %swap3A_12 = tpu.vector_load %arg15[%swap3A_11] {strides = array<i32>} : memref<128xf32, #tpu.memory_space<vmem>>, vector<16xf32>,
    %swap3A_13 = vector.shape_cast %swap3A_12 : vector<16xf32> to vector<16xf32>
    %swap3A_14 = vector.shape_cast %broadcast_in_dim3A_10 : vector<16xf32> to vector<16xf32>
    tpu.vector_store %arg15[%swap3A_11], %swap3A_14 {strides = array<i32>} : memref<128xf32, #tpu.memory_space<vmem>>, vector<16xf32>,
    %broadcast_in_dim3A_15 = arith.constant 1.000000e+00 : f32
    %broadcast_in_dim3A_16 = vector.broadcast %broadcast_in_dim3A_15 : f32 to vector<16xf32>
    %swap3A_17 = arith.constant 32 : index
    %swap3A_18 = tpu.vector_load %arg15[%swap3A_17] {strides = array<i32>} : memref<128xf32, #tpu.memory_space<vmem>>, vector<16xf32>,
    %swap3A_19 = vector.shape_cast %swap3A_18 : vector<16xf32> to vector<16xf32>
    %swap3A_20 = vector.shape_cast %broadcast_in_dim3A_16 : vector<16xf32> to vector<16xf32>
    tpu.vector_store %arg15[%swap3A_17], %swap3A_20 {strides = array<i32>} : memref<128xf32, #tpu.memory_space<vmem>>, vector<16xf32>,
    %broadcast_in_dim3A_21 = arith.constant 1.000000e+00 : f32
    %broadcast_in_dim3A_22 = vector.broadcast %broadcast_in_dim3A_21 : f32 to vector<16xf32>
    %swap3A_23 = arith.constant 48 : index
    %swap3A_24 = tpu.vector_load %arg15[%swap3A_23] {strides = array<i32>} : memref<128xf32, #tpu.memory_space<vmem>>, vector<16xf32>,
    %swap3A_25 = vector.shape_cast %swap3A_24 : vector<16xf32> to vector<16xf32>
    %swap3A_26 = vector.shape_cast %broadcast_in_dim3A_22 : vector<16xf32> to vector<16xf32>
    tpu.vector_store %arg15[%swap3A_23], %swap3A_26 {strides = array<i32>} : memref<128xf32, #tpu.memory_space<vmem>>, vector<16xf32>,
    %broadcast_in_dim3A_27 = arith.constant 1.000000e+00 : f32
    %broadcast_in_dim3A_28 = vector.broadcast %broadcast_in_dim3A_27 : f32 to vector<16xf32>
    %swap3A_29 = arith.constant 64 : index
    %swap3A_30 = tpu.vector_load %arg15[%swap3A_29] {strides = array<i32>} : memref<128xf32, #tpu.memory_space<vmem>>, vector<16xf32>,
    %swap3A_31 = vector.shape_cast %swap3A_30 : vector<16xf32> to vector<16xf32>
    %swap3A_32 = vector.shape_cast %broadcast_in_dim3A_28 : vector<16xf32> to vector<16xf32>
    tpu.vector_store %arg15[%swap3A_29], %swap3A_32 {strides = array<i32>} : memref<128xf32, #tpu.memory_space<vmem>>, vector<16xf32>,
    %broadcast_in_dim3A_33 = arith.constant 1.000000e+00 : f32
    %broadcast_in_dim3A_34 = vector.broadcast %broadcast_in_dim3A_33 : f32 to vector<16xf32>
    %swap3A_35 = arith.constant 80 : index
    %swap3A_36 = tpu.vector_load %arg15[%swap3A_35] {strides = array<i32>} : memref<128xf32, #tpu.memory_space<vmem>>, vector<16xf32>,
    %swap3A_37 = vector.shape_cast %swap3A_36 : vector<16xf32> to vector<16xf32>
    %swap3A_38 = vector.shape_cast %broadcast_in_dim3A_34 : vector<16xf32> to vector<16xf32>
    tpu.vector_store %arg15[%swap3A_35], %swap3A_38 {strides = array<i32>} : memref<128xf32, #tpu.memory_space<vmem>>, vector<16xf32>,
    %broadcast_in_dim3A_39 = arith.constant 1.000000e+00 : f32
    %broadcast_in_dim3A_40 = vector.broadcast %broadcast_in_dim3A_39 : f32 to vector<16xf32>
    %swap3A_41 = arith.constant 96 : index
    %swap3A_42 = tpu.vector_load %arg15[%swap3A_41] {strides = array<i32>} : memref<128xf32, #tpu.memory_space<vmem>>, vector<16xf32>,
    %swap3A_43 = vector.shape_cast %swap3A_42 : vector<16xf32> to vector<16xf32>
    %swap3A_44 = vector.shape_cast %broadcast_in_dim3A_40 : vector<16xf32> to vector<16xf32>
    tpu.vector_store %arg15[%swap3A_41], %swap3A_44 {strides = array<i32>} : memref<128xf32, #tpu.memory_space<vmem>>, vector<16xf32>,
    %broadcast_in_dim3A_45 = arith.constant 1.000000e+00 : f32
    %broadcast_in_dim3A_46 = vector.broadcast %broadcast_in_dim3A_45 : f32 to vector<16xf32>
    %swap3A_47 = arith.constant 112 : index
    %swap3A_48 = tpu.vector_load %arg15[%swap3A_47] {strides = array<i32>} : memref<128xf32, #tpu.memory_space<vmem>>, vector<16xf32>,
    %swap3A_49 = vector.shape_cast %swap3A_48 : vector<16xf32> to vector<16xf32>
    %swap3A_50 = vector.shape_cast %broadcast_in_dim3A_46 : vector<16xf32> to vector<16xf32>
    tpu.vector_store %arg15[%swap3A_47], %swap3A_50 {strides = array<i32>} : memref<128xf32, #tpu.memory_space<vmem>>, vector<16xf32>,
    %barrier3A = arith.constant 0 : index
    tpu.barrier barrier_id(%barrier3A)
    %mul3A_51 = arith.constant 80 : i32
    %mul3A_52 = arith.muli %add3A, %mul3A_51 : i32
    %add3A_53 = arith.constant 0 : i32
    %add3A_54 = arith.addi %mul3A_52, %add3A_53 : i32
    "tpu.region"() ({
      %run_scoped3A_154 = tpu.sem_alloc : memref<!tpu.dma_semaphore, #tpu.memory_space<semaphore_mem>>
      %dma_start3A_155 = arith.constant 0 : i32
      %dma_start3A_156 = arith.constant 0 : i32
      %dma_start3A_157 = tpu.memref_slice %arg3[%add3A_54, %dma_start3A_155, %dma_start3A_156] : memref<2560x2x128xi32, #tpu.memory_space<hbm>> -> memref<40x2x128xi32, #tpu.memory_space<hbm>>
      %dma_start3A_158 = arith.constant 0 : i32
      %dma_start3A_159 = arith.constant 0 : i32
      %dma_start3A_160 = tpu.memref_slice %arg3[%add3A_54, %dma_start3A_158, %dma_start3A_159] : memref<2560x2x128xi32, #tpu.memory_space<hbm>> -> memref<40x2x128xi32, #tpu.memory_space<hbm>>
      tpu.enqueue_dma source(%dma_start3A_160 : memref<40x2x128xi32, #tpu.memory_space<hbm>>) target(%arg9 : memref<40x2x128xi32, #tpu.memory_space<vmem>>) target_semaphore(%run_scoped3A_154 : memref<!tpu.dma_semaphore, #tpu.memory_space<semaphore_mem>>)
      %dma_wait3A_161 = arith.constant 0 : i32
      %dma_wait3A_162 = arith.constant 0 : i32
      %dma_wait3A_163 = tpu.memref_slice %arg3[%add3A_54, %dma_wait3A_161, %dma_wait3A_162] : memref<2560x2x128xi32, #tpu.memory_space<hbm>> -> memref<40x2x128xi32, #tpu.memory_space<hbm>>
      %dma_wait3A_164 = arith.constant 0 : i32
      %dma_wait3A_165 = arith.constant 0 : i32
      %dma_wait3A_166 = tpu.memref_slice %arg3[%add3A_54, %dma_wait3A_164, %dma_wait3A_165] : memref<2560x2x128xi32, #tpu.memory_space<hbm>> -> memref<40x2x128xi32, #tpu.memory_space<hbm>>
      tpu.wait_dma2 semaphore(%run_scoped3A_154 : memref<!tpu.dma_semaphore, #tpu.memory_space<semaphore_mem>>) src(%dma_wait3A_166 : memref<40x2x128xi32, #tpu.memory_space<hbm>>) dst(%arg9 : memref<40x2x128xi32, #tpu.memory_space<vmem>>)
      tpu.yield
    }) : () -> ()
    %dma_start3A = arith.constant 0 : i32
    %dma_start3A_55 = arith.constant 0 : i32
    %dma_start3A_56 = arith.constant 0 : i32
    %dma_start3A_57 = tpu.memref_slice %arg9[%dma_start3A, %dma_start3A_55, %dma_start3A_56] : memref<40x2x128xi32, #tpu.memory_space<vmem>> -> memref<1x1x128xi32, #tpu.memory_space<vmem>>
    %dma_start3A_58 = tpu.memref_squeeze %dma_start3A_57 : memref<1x1x128xi32, #tpu.memory_space<vmem>> -> memref<128xi32, #tpu.memory_space<vmem>>
    %dma_start3A_59 = arith.constant 0 : i32
    %dma_start3A_60 = arith.constant 0 : i32
    %dma_start3A_61 = tpu.memref_slice %arg2[%dma_start3A_59, %dma_start3A_60] : memref<10240x128xf32, #tpu.memory_space<hbm>> -> memref<10240x128xf32, #tpu.memory_space<hbm>>
    tpu.enqueue_indirect_dma source(%dma_start3A_61 : memref<10240x128xf32, #tpu.memory_space<hbm>>) target(%arg10 : memref<128x128xf32, #tpu.memory_space<vmem>>) offsets(%dma_start3A_58 : memref<128xi32, #tpu.memory_space<vmem>>) semaphore(%arg12 : memref<!tpu.dma_semaphore, #tpu.memory_space<semaphore_mem>>)
    %dma_start3A_62 = arith.constant 1 : i32
    %dma_start3A_63 = arith.constant 0 : i32
    %dma_start3A_64 = arith.constant 0 : i32
    %dma_start3A_65 = tpu.memref_slice %arg9[%dma_start3A_62, %dma_start3A_63, %dma_start3A_64] : memref<40x2x128xi32, #tpu.memory_space<vmem>> -> memref<1x1x128xi32, #tpu.memory_space<vmem>>
    %dma_start3A_66 = tpu.memref_squeeze %dma_start3A_65 : memref<1x1x128xi32, #tpu.memory_space<vmem>> -> memref<128xi32, #tpu.memory_space<vmem>>
    %dma_start3A_67 = arith.constant 0 : i32
    %dma_start3A_68 = arith.constant 0 : i32
    %dma_start3A_69 = tpu.memref_slice %arg2[%dma_start3A_67, %dma_start3A_68] : memref<10240x128xf32, #tpu.memory_space<hbm>> -> memref<10240x128xf32, #tpu.memory_space<hbm>>
    tpu.enqueue_indirect_dma source(%dma_start3A_69 : memref<10240x128xf32, #tpu.memory_space<hbm>>) target(%arg11 : memref<128x128xf32, #tpu.memory_space<vmem>>) offsets(%dma_start3A_66 : memref<128xi32, #tpu.memory_space<vmem>>) semaphore(%arg13 : memref<!tpu.dma_semaphore, #tpu.memory_space<semaphore_mem>>)
    %scan3A = arith.constant 0 : i32
    %scan3A_70 = arith.constant 0 : i32
    %scan3A_71 = arith.constant 19 : i32
    %scan3A_72 = arith.addi %scan3A_70, %scan3A_71 : i32
    %scan3A_73 = arith.constant 1 : i32
    scf.for %scan3A_154 = %scan3A_70 to %scan3A_72 step %scan3A_73  : i32 {
      %mul3A_155 = arith.constant 2 : i32
      %mul3A_156 = arith.muli %scan3A_154, %mul3A_155 : i32
      %add3A_157 = arith.constant 0 : i32
      %add3A_158 = arith.addi %mul3A_156, %add3A_157 : i32
      %dma_wait3A_159 = arith.constant 0 : i32
      %dma_wait3A_160 = arith.constant 0 : i32
      %dma_wait3A_161 = arith.constant 0 : i32
      %dma_wait3A_162 = tpu.memref_slice %arg9[%dma_wait3A_159, %dma_wait3A_160, %dma_wait3A_161] : memref<40x2x128xi32, #tpu.memory_space<vmem>> -> memref<1x1x128xi32, #tpu.memory_space<vmem>>
      %dma_wait3A_163 = tpu.memref_squeeze %dma_wait3A_162 : memref<1x1x128xi32, #tpu.memory_space<vmem>> -> memref<128xi32, #tpu.memory_space<vmem>>
      %dma_wait3A_164 = arith.constant 0 : i32
      %dma_wait3A_165 = arith.constant 0 : i32
      %dma_wait3A_166 = tpu.memref_slice %arg2[%dma_wait3A_164, %dma_wait3A_165] : memref<10240x128xf32, #tpu.memory_space<hbm>> -> memref<10240x128xf32, #tpu.memory_space<hbm>>
      tpu.wait_indirect_dma semaphore(%arg12 : memref<!tpu.dma_semaphore, #tpu.memory_space<semaphore_mem>>) src(%dma_wait3A_166 : memref<10240x128xf32, #tpu.memory_space<hbm>>) dst(%arg10 : memref<128x128xf32, #tpu.memory_space<vmem>>)
      %run_scoped3A_167 = arith.constant 1 : i32
      "tpu.region"() ({
        %run_scoped3A_201 = tpu.sem_alloc : memref<!tpu.dma_semaphore, #tpu.memory_space<semaphore_mem>>
        %dma_start3A_202 = arith.constant 0 : i32
        %dma_start3A_203 = tpu.memref_slice %arg9[%add3A_158, %run_scoped3A_167, %dma_start3A_202] : memref<40x2x128xi32, #tpu.memory_space<vmem>> -> memref<1x1x128xi32, #tpu.memory_space<vmem>>
        %dma_start3A_204 = tpu.memref_squeeze %dma_start3A_203 : memref<1x1x128xi32, #tpu.memory_space<vmem>> -> memref<128xi32, #tpu.memory_space<vmem>>
        %dma_start3A_205 = arith.constant 0 : i32
        %dma_start3A_206 = arith.constant 0 : i32
        %dma_start3A_207 = tpu.memref_slice %arg8[%dma_start3A_205, %dma_start3A_206] : memref<10240x128xf32, #tpu.memory_space<vmem_shared>> -> memref<10240x128xf32, #tpu.memory_space<vmem_shared>>
        tpu.enqueue_indirect_dma source(%arg10 : memref<128x128xf32, #tpu.memory_space<vmem>>) target(%dma_start3A_207 : memref<10240x128xf32, #tpu.memory_space<vmem_shared>>) offsets(%dma_start3A_204 : memref<128xi32, #tpu.memory_space<vmem>>) semaphore(%run_scoped3A_201 : memref<!tpu.dma_semaphore, #tpu.memory_space<semaphore_mem>>) {add = true}
        %dma_wait3A_208 = arith.constant 0 : i32
        %dma_wait3A_209 = tpu.memref_slice %arg9[%add3A_158, %run_scoped3A_167, %dma_wait3A_208] : memref<40x2x128xi32, #tpu.memory_space<vmem>> -> memref<1x1x128xi32, #tpu.memory_space<vmem>>
        %dma_wait3A_210 = tpu.memref_squeeze %dma_wait3A_209 : memref<1x1x128xi32, #tpu.memory_space<vmem>> -> memref<128xi32, #tpu.memory_space<vmem>>
        %dma_wait3A_211 = arith.constant 0 : i32
        %dma_wait3A_212 = arith.constant 0 : i32
        %dma_wait3A_213 = tpu.memref_slice %arg8[%dma_wait3A_211, %dma_wait3A_212] : memref<10240x128xf32, #tpu.memory_space<vmem_shared>> -> memref<10240x128xf32, #tpu.memory_space<vmem_shared>>
        tpu.wait_indirect_dma semaphore(%run_scoped3A_201 : memref<!tpu.dma_semaphore, #tpu.memory_space<semaphore_mem>>) src(%arg10 : memref<128x128xf32, #tpu.memory_space<vmem>>) dst(%dma_wait3A_213 : memref<10240x128xf32, #tpu.memory_space<vmem_shared>>)
        tpu.yield
      }) : () -> ()
      %run_scoped3A_168 = arith.constant 1 : i32
      "tpu.region"() ({
        %run_scoped3A_201 = tpu.sem_alloc : memref<!tpu.dma_semaphore, #tpu.memory_space<semaphore_mem>>
        %dma_start3A_202 = arith.constant 0 : i32
        %dma_start3A_203 = tpu.memref_slice %arg9[%add3A_158, %run_scoped3A_168, %dma_start3A_202] : memref<40x2x128xi32, #tpu.memory_space<vmem>> -> memref<1x1x128xi32, #tpu.memory_space<vmem>>
        %dma_start3A_204 = tpu.memref_squeeze %dma_start3A_203 : memref<1x1x128xi32, #tpu.memory_space<vmem>> -> memref<128xi32, #tpu.memory_space<vmem>>
        %dma_start3A_205 = arith.constant 0 : i32
        %dma_start3A_206 = tpu.memref_slice %arg14[%dma_start3A_205] : memref<10240xf32, #tpu.memory_space<vmem_shared>> -> memref<10240xf32, #tpu.memory_space<vmem_shared>>
        tpu.enqueue_indirect_dma source(%arg15 : memref<128xf32, #tpu.memory_space<vmem>>) target(%dma_start3A_206 : memref<10240xf32, #tpu.memory_space<vmem_shared>>) offsets(%dma_start3A_204 : memref<128xi32, #tpu.memory_space<vmem>>) semaphore(%run_scoped3A_201 : memref<!tpu.dma_semaphore, #tpu.memory_space<semaphore_mem>>) {add = true}
        %dma_wait3A_207 = arith.constant 0 : i32
        %dma_wait3A_208 = tpu.memref_slice %arg9[%add3A_158, %run_scoped3A_168, %dma_wait3A_207] : memref<40x2x128xi32, #tpu.memory_space<vmem>> -> memref<1x1x128xi32, #tpu.memory_space<vmem>>
        %dma_wait3A_209 = tpu.memref_squeeze %dma_wait3A_208 : memref<1x1x128xi32, #tpu.memory_space<vmem>> -> memref<128xi32, #tpu.memory_space<vmem>>
        %dma_wait3A_210 = arith.constant 0 : i32
        %dma_wait3A_211 = tpu.memref_slice %arg14[%dma_wait3A_210] : memref<10240xf32, #tpu.memory_space<vmem_shared>> -> memref<10240xf32, #tpu.memory_space<vmem_shared>>
        tpu.wait_indirect_dma semaphore(%run_scoped3A_201 : memref<!tpu.dma_semaphore, #tpu.memory_space<semaphore_mem>>) src(%arg15 : memref<128xf32, #tpu.memory_space<vmem>>) dst(%dma_wait3A_211 : memref<10240xf32, #tpu.memory_space<vmem_shared>>)
        tpu.yield
      }) : () -> ()
      %add3A_169 = arith.constant 2 : i32
      %add3A_170 = arith.addi %add3A_158, %add3A_169 : i32
      %dma_start3A_171 = arith.constant 0 : i32
      %dma_start3A_172 = arith.constant 0 : i32
      %dma_start3A_173 = tpu.memref_slice %arg9[%add3A_170, %dma_start3A_171, %dma_start3A_172] : memref<40x2x128xi32, #tpu.memory_space<vmem>> -> memref<1x1x128xi32, #tpu.memory_space<vmem>>
      %dma_start3A_174 = tpu.memref_squeeze %dma_start3A_173 : memref<1x1x128xi32, #tpu.memory_space<vmem>> -> memref<128xi32, #tpu.memory_space<vmem>>
      %dma_start3A_175 = arith.constant 0 : i32
      %dma_start3A_176 = arith.constant 0 : i32
      %dma_start3A_177 = tpu.memref_slice %arg2[%dma_start3A_175, %dma_start3A_176] : memref<10240x128xf32, #tpu.memory_space<hbm>> -> memref<10240x128xf32, #tpu.memory_space<hbm>>
      tpu.enqueue_indirect_dma source(%dma_start3A_177 : memref<10240x128xf32, #tpu.memory_space<hbm>>) target(%arg10 : memref<128x128xf32, #tpu.memory_space<vmem>>) offsets(%dma_start3A_174 : memref<128xi32, #tpu.memory_space<vmem>>) semaphore(%arg12 : memref<!tpu.dma_semaphore, #tpu.memory_space<semaphore_mem>>)
      %mul3A_178 = arith.constant 2 : i32
      %mul3A_179 = arith.muli %scan3A_154, %mul3A_178 : i32
      %add3A_180 = arith.constant 1 : i32
      %add3A_181 = arith.addi %mul3A_179, %add3A_180 : i32
      %dma_wait3A_182 = arith.constant 0 : i32
      %dma_wait3A_183 = arith.constant 0 : i32
      %dma_wait3A_184 = arith.constant 0 : i32
      %dma_wait3A_185 = tpu.memref_slice %arg9[%dma_wait3A_182, %dma_wait3A_183, %dma_wait3A_184] : memref<40x2x128xi32, #tpu.memory_space<vmem>> -> memref<1x1x128xi32, #tpu.memory_space<vmem>>
      %dma_wait3A_186 = tpu.memref_squeeze %dma_wait3A_185 : memref<1x1x128xi32, #tpu.memory_space<vmem>> -> memref<128xi32, #tpu.memory_space<vmem>>
      %dma_wait3A_187 = arith.constant 0 : i32
      %dma_wait3A_188 = arith.constant 0 : i32
      %dma_wait3A_189 = tpu.memref_slice %arg2[%dma_wait3A_187, %dma_wait3A_188] : memref<10240x128xf32, #tpu.memory_space<hbm>> -> memref<10240x128xf32, #tpu.memory_space<hbm>>
      tpu.wait_indirect_dma semaphore(%arg13 : memref<!tpu.dma_semaphore, #tpu.memory_space<semaphore_mem>>) src(%dma_wait3A_189 : memref<10240x128xf32, #tpu.memory_space<hbm>>) dst(%arg11 : memref<128x128xf32, #tpu.memory_space<vmem>>)
      %run_scoped3A_190 = arith.constant 1 : i32
      "tpu.region"() ({
        %run_scoped3A_201 = tpu.sem_alloc : memref<!tpu.dma_semaphore, #tpu.memory_space<semaphore_mem>>
        %dma_start3A_202 = arith.constant 0 : i32
        %dma_start3A_203 = tpu.memref_slice %arg9[%add3A_181, %run_scoped3A_190, %dma_start3A_202] : memref<40x2x128xi32, #tpu.memory_space<vmem>> -> memref<1x1x128xi32, #tpu.memory_space<vmem>>
        %dma_start3A_204 = tpu.memref_squeeze %dma_start3A_203 : memref<1x1x128xi32, #tpu.memory_space<vmem>> -> memref<128xi32, #tpu.memory_space<vmem>>
        %dma_start3A_205 = arith.constant 0 : i32
        %dma_start3A_206 = arith.constant 0 : i32
        %dma_start3A_207 = tpu.memref_slice %arg8[%dma_start3A_205, %dma_start3A_206] : memref<10240x128xf32, #tpu.memory_space<vmem_shared>> -> memref<10240x128xf32, #tpu.memory_space<vmem_shared>>
        tpu.enqueue_indirect_dma source(%arg11 : memref<128x128xf32, #tpu.memory_space<vmem>>) target(%dma_start3A_207 : memref<10240x128xf32, #tpu.memory_space<vmem_shared>>) offsets(%dma_start3A_204 : memref<128xi32, #tpu.memory_space<vmem>>) semaphore(%run_scoped3A_201 : memref<!tpu.dma_semaphore, #tpu.memory_space<semaphore_mem>>) {add = true}
        %dma_wait3A_208 = arith.constant 0 : i32
        %dma_wait3A_209 = tpu.memref_slice %arg9[%add3A_181, %run_scoped3A_190, %dma_wait3A_208] : memref<40x2x128xi32, #tpu.memory_space<vmem>> -> memref<1x1x128xi32, #tpu.memory_space<vmem>>
        %dma_wait3A_210 = tpu.memref_squeeze %dma_wait3A_209 : memref<1x1x128xi32, #tpu.memory_space<vmem>> -> memref<128xi32, #tpu.memory_space<vmem>>
        %dma_wait3A_211 = arith.constant 0 : i32
        %dma_wait3A_212 = arith.constant 0 : i32
        %dma_wait3A_213 = tpu.memref_slice %arg8[%dma_wait3A_211, %dma_wait3A_212] : memref<10240x128xf32, #tpu.memory_space<vmem_shared>> -> memref<10240x128xf32, #tpu.memory_space<vmem_shared>>
        tpu.wait_indirect_dma semaphore(%run_scoped3A_201 : memref<!tpu.dma_semaphore, #tpu.memory_space<semaphore_mem>>) src(%arg11 : memref<128x128xf32, #tpu.memory_space<vmem>>) dst(%dma_wait3A_213 : memref<10240x128xf32, #tpu.memory_space<vmem_shared>>)
        tpu.yield
      }) : () -> ()
      %run_scoped3A_191 = arith.constant 1 : i32
      "tpu.region"() ({
        %run_scoped3A_201 = tpu.sem_alloc : memref<!tpu.dma_semaphore, #tpu.memory_space<semaphore_mem>>
        %dma_start3A_202 = arith.constant 0 : i32
        %dma_start3A_203 = tpu.memref_slice %arg9[%add3A_181, %run_scoped3A_191, %dma_start3A_202] : memref<40x2x128xi32, #tpu.memory_space<vmem>> -> memref<1x1x128xi32, #tpu.memory_space<vmem>>
        %dma_start3A_204 = tpu.memref_squeeze %dma_start3A_203 : memref<1x1x128xi32, #tpu.memory_space<vmem>> -> memref<128xi32, #tpu.memory_space<vmem>>
        %dma_start3A_205 = arith.constant 0 : i32
        %dma_start3A_206 = tpu.memref_slice %arg14[%dma_start3A_205] : memref<10240xf32, #tpu.memory_space<vmem_shared>> -> memref<10240xf32, #tpu.memory_space<vmem_shared>>
        tpu.enqueue_indirect_dma source(%arg15 : memref<128xf32, #tpu.memory_space<vmem>>) target(%dma_start3A_206 : memref<10240xf32, #tpu.memory_space<vmem_shared>>) offsets(%dma_start3A_204 : memref<128xi32, #tpu.memory_space<vmem>>) semaphore(%run_scoped3A_201 : memref<!tpu.dma_semaphore, #tpu.memory_space<semaphore_mem>>) {add = true}
        %dma_wait3A_207 = arith.constant 0 : i32
        %dma_wait3A_208 = tpu.memref_slice %arg9[%add3A_181, %run_scoped3A_191, %dma_wait3A_207] : memref<40x2x128xi32, #tpu.memory_space<vmem>> -> memref<1x1x128xi32, #tpu.memory_space<vmem>>
        %dma_wait3A_209 = tpu.memref_squeeze %dma_wait3A_208 : memref<1x1x128xi32, #tpu.memory_space<vmem>> -> memref<128xi32, #tpu.memory_space<vmem>>
        %dma_wait3A_210 = arith.constant 0 : i32
        %dma_wait3A_211 = tpu.memref_slice %arg14[%dma_wait3A_210] : memref<10240xf32, #tpu.memory_space<vmem_shared>> -> memref<10240xf32, #tpu.memory_space<vmem_shared>>
        tpu.wait_indirect_dma semaphore(%run_scoped3A_201 : memref<!tpu.dma_semaphore, #tpu.memory_space<semaphore_mem>>) src(%arg15 : memref<128xf32, #tpu.memory_space<vmem>>) dst(%dma_wait3A_211 : memref<10240xf32, #tpu.memory_space<vmem_shared>>)
        tpu.yield
      }) : () -> ()
      %add3A_192 = arith.constant 2 : i32
      %add3A_193 = arith.addi %add3A_181, %add3A_192 : i32
      %dma_start3A_194 = arith.constant 0 : i32
      %dma_start3A_195 = arith.constant 0 : i32
      %dma_start3A_196 = tpu.memref_slice %arg9[%add3A_193, %dma_start3A_194, %dma_start3A_195] : memref<40x2x128xi32, #tpu.memory_space<vmem>> -> memref<1x1x128xi32, #tpu.memory_space<vmem>>
      %dma_start3A_197 = tpu.memref_squeeze %dma_start3A_196 : memref<1x1x128xi32, #tpu.memory_space<vmem>> -> memref<128xi32, #tpu.memory_space<vmem>>
      %dma_start3A_198 = arith.constant 0 : i32
      %dma_start3A_199 = arith.constant 0 : i32
      %dma_start3A_200 = tpu.memref_slice %arg2[%dma_start3A_198, %dma_start3A_199] : memref<10240x128xf32, #tpu.memory_space<hbm>> -> memref<10240x128xf32, #tpu.memory_space<hbm>>
      tpu.enqueue_indirect_dma source(%dma_start3A_200 : memref<10240x128xf32, #tpu.memory_space<hbm>>) target(%arg11 : memref<128x128xf32, #tpu.memory_space<vmem>>) offsets(%dma_start3A_197 : memref<128xi32, #tpu.memory_space<vmem>>) semaphore(%arg13 : memref<!tpu.dma_semaphore, #tpu.memory_space<semaphore_mem>>)
    }
    %scan3A_74 = arith.constant 19 : i32
    %dma_wait3A = arith.constant 0 : i32
    %dma_wait3A_75 = arith.constant 0 : i32
    %dma_wait3A_76 = arith.constant 0 : i32
    %dma_wait3A_77 = tpu.memref_slice %arg9[%dma_wait3A, %dma_wait3A_75, %dma_wait3A_76] : memref<40x2x128xi32, #tpu.memory_space<vmem>> -> memref<1x1x128xi32, #tpu.memory_space<vmem>>
    %dma_wait3A_78 = tpu.memref_squeeze %dma_wait3A_77 : memref<1x1x128xi32, #tpu.memory_space<vmem>> -> memref<128xi32, #tpu.memory_space<vmem>>
    %dma_wait3A_79 = arith.constant 0 : i32
    %dma_wait3A_80 = arith.constant 0 : i32
    %dma_wait3A_81 = tpu.memref_slice %arg2[%dma_wait3A_79, %dma_wait3A_80] : memref<10240x128xf32, #tpu.memory_space<hbm>> -> memref<10240x128xf32, #tpu.memory_space<hbm>>
    tpu.wait_indirect_dma semaphore(%arg12 : memref<!tpu.dma_semaphore, #tpu.memory_space<semaphore_mem>>) src(%dma_wait3A_81 : memref<10240x128xf32, #tpu.memory_space<hbm>>) dst(%arg10 : memref<128x128xf32, #tpu.memory_space<vmem>>)
    %run_scoped3A = arith.constant 38 : i32
    %run_scoped3A_82 = arith.constant 1 : i32
    "tpu.region"() ({
      %run_scoped3A_154 = tpu.sem_alloc : memref<!tpu.dma_semaphore, #tpu.memory_space<semaphore_mem>>
      %dma_start3A_155 = arith.constant 0 : i32
      %dma_start3A_156 = tpu.memref_slice %arg9[%run_scoped3A, %run_scoped3A_82, %dma_start3A_155] : memref<40x2x128xi32, #tpu.memory_space<vmem>> -> memref<1x1x128xi32, #tpu.memory_space<vmem>>
      %dma_start3A_157 = tpu.memref_squeeze %dma_start3A_156 : memref<1x1x128xi32, #tpu.memory_space<vmem>> -> memref<128xi32, #tpu.memory_space<vmem>>
      %dma_start3A_158 = arith.constant 0 : i32
      %dma_start3A_159 = arith.constant 0 : i32
      %dma_start3A_160 = tpu.memref_slice %arg8[%dma_start3A_158, %dma_start3A_159] : memref<10240x128xf32, #tpu.memory_space<vmem_shared>> -> memref<10240x128xf32, #tpu.memory_space<vmem_shared>>
      tpu.enqueue_indirect_dma source(%arg10 : memref<128x128xf32, #tpu.memory_space<vmem>>) target(%dma_start3A_160 : memref<10240x128xf32, #tpu.memory_space<vmem_shared>>) offsets(%dma_start3A_157 : memref<128xi32, #tpu.memory_space<vmem>>) semaphore(%run_scoped3A_154 : memref<!tpu.dma_semaphore, #tpu.memory_space<semaphore_mem>>) {add = true}
      %dma_wait3A_161 = arith.constant 0 : i32
      %dma_wait3A_162 = tpu.memref_slice %arg9[%run_scoped3A, %run_scoped3A_82, %dma_wait3A_161] : memref<40x2x128xi32, #tpu.memory_space<vmem>> -> memref<1x1x128xi32, #tpu.memory_space<vmem>>
      %dma_wait3A_163 = tpu.memref_squeeze %dma_wait3A_162 : memref<1x1x128xi32, #tpu.memory_space<vmem>> -> memref<128xi32, #tpu.memory_space<vmem>>
      %dma_wait3A_164 = arith.constant 0 : i32
      %dma_wait3A_165 = arith.constant 0 : i32
      %dma_wait3A_166 = tpu.memref_slice %arg8[%dma_wait3A_164, %dma_wait3A_165] : memref<10240x128xf32, #tpu.memory_space<vmem_shared>> -> memref<10240x128xf32, #tpu.memory_space<vmem_shared>>
      tpu.wait_indirect_dma semaphore(%run_scoped3A_154 : memref<!tpu.dma_semaphore, #tpu.memory_space<semaphore_mem>>) src(%arg10 : memref<128x128xf32, #tpu.memory_space<vmem>>) dst(%dma_wait3A_166 : memref<10240x128xf32, #tpu.memory_space<vmem_shared>>)
      tpu.yield
    }) : () -> ()
    %run_scoped3A_83 = arith.constant 38 : i32
    %run_scoped3A_84 = arith.constant 1 : i32
    "tpu.region"() ({
      %run_scoped3A_154 = tpu.sem_alloc : memref<!tpu.dma_semaphore, #tpu.memory_space<semaphore_mem>>
      %dma_start3A_155 = arith.constant 0 : i32
      %dma_start3A_156 = tpu.memref_slice %arg9[%run_scoped3A_83, %run_scoped3A_84, %dma_start3A_155] : memref<40x2x128xi32, #tpu.memory_space<vmem>> -> memref<1x1x128xi32, #tpu.memory_space<vmem>>
      %dma_start3A_157 = tpu.memref_squeeze %dma_start3A_156 : memref<1x1x128xi32, #tpu.memory_space<vmem>> -> memref<128xi32, #tpu.memory_space<vmem>>
      %dma_start3A_158 = arith.constant 0 : i32
      %dma_start3A_159 = tpu.memref_slice %arg14[%dma_start3A_158] : memref<10240xf32, #tpu.memory_space<vmem_shared>> -> memref<10240xf32, #tpu.memory_space<vmem_shared>>
      tpu.enqueue_indirect_dma source(%arg15 : memref<128xf32, #tpu.memory_space<vmem>>) target(%dma_start3A_159 : memref<10240xf32, #tpu.memory_space<vmem_shared>>) offsets(%dma_start3A_157 : memref<128xi32, #tpu.memory_space<vmem>>) semaphore(%run_scoped3A_154 : memref<!tpu.dma_semaphore, #tpu.memory_space<semaphore_mem>>) {add = true}
      %dma_wait3A_160 = arith.constant 0 : i32
      %dma_wait3A_161 = tpu.memref_slice %arg9[%run_scoped3A_83, %run_scoped3A_84, %dma_wait3A_160] : memref<40x2x128xi32, #tpu.memory_space<vmem>> -> memref<1x1x128xi32, #tpu.memory_space<vmem>>
      %dma_wait3A_162 = tpu.memref_squeeze %dma_wait3A_161 : memref<1x1x128xi32, #tpu.memory_space<vmem>> -> memref<128xi32, #tpu.memory_space<vmem>>
      %dma_wait3A_163 = arith.constant 0 : i32
      %dma_wait3A_164 = tpu.memref_slice %arg14[%dma_wait3A_163] : memref<10240xf32, #tpu.memory_space<vmem_shared>> -> memref<10240xf32, #tpu.memory_space<vmem_shared>>
      tpu.wait_indirect_dma semaphore(%run_scoped3A_154 : memref<!tpu.dma_semaphore, #tpu.memory_space<semaphore_mem>>) src(%arg15 : memref<128xf32, #tpu.memory_space<vmem>>) dst(%dma_wait3A_164 : memref<10240xf32, #tpu.memory_space<vmem_shared>>)
      tpu.yield
    }) : () -> ()
    %dma_wait3A_85 = arith.constant 0 : i32
    %dma_wait3A_86 = arith.constant 0 : i32
    %dma_wait3A_87 = arith.constant 0 : i32
    %dma_wait3A_88 = tpu.memref_slice %arg9[%dma_wait3A_85, %dma_wait3A_86, %dma_wait3A_87] : memref<40x2x128xi32, #tpu.memory_space<vmem>> -> memref<1x1x128xi32, #tpu.memory_space<vmem>>
    %dma_wait3A_89 = tpu.memref_squeeze %dma_wait3A_88 : memref<1x1x128xi32, #tpu.memory_space<vmem>> -> memref<128xi32, #tpu.memory_space<vmem>>
    %dma_wait3A_90 = arith.constant 0 : i32
    %dma_wait3A_91 = arith.constant 0 : i32
    %dma_wait3A_92 = tpu.memref_slice %arg2[%dma_wait3A_90, %dma_wait3A_91] : memref<10240x128xf32, #tpu.memory_space<hbm>> -> memref<10240x128xf32, #tpu.memory_space<hbm>>
    tpu.wait_indirect_dma semaphore(%arg13 : memref<!tpu.dma_semaphore, #tpu.memory_space<semaphore_mem>>) src(%dma_wait3A_92 : memref<10240x128xf32, #tpu.memory_space<hbm>>) dst(%arg11 : memref<128x128xf32, #tpu.memory_space<vmem>>)
    %run_scoped3A_93 = arith.constant 39 : i32
    %run_scoped3A_94 = arith.constant 1 : i32
    "tpu.region"() ({
      %run_scoped3A_154 = tpu.sem_alloc : memref<!tpu.dma_semaphore, #tpu.memory_space<semaphore_mem>>
      %dma_start3A_155 = arith.constant 0 : i32
      %dma_start3A_156 = tpu.memref_slice %arg9[%run_scoped3A_93, %run_scoped3A_94, %dma_start3A_155] : memref<40x2x128xi32, #tpu.memory_space<vmem>> -> memref<1x1x128xi32, #tpu.memory_space<vmem>>
      %dma_start3A_157 = tpu.memref_squeeze %dma_start3A_156 : memref<1x1x128xi32, #tpu.memory_space<vmem>> -> memref<128xi32, #tpu.memory_space<vmem>>
      %dma_start3A_158 = arith.constant 0 : i32
      %dma_start3A_159 = arith.constant 0 : i32
      %dma_start3A_160 = tpu.memref_slice %arg8[%dma_start3A_158, %dma_start3A_159] : memref<10240x128xf32, #tpu.memory_space<vmem_shared>> -> memref<10240x128xf32, #tpu.memory_space<vmem_shared>>
      tpu.enqueue_indirect_dma source(%arg11 : memref<128x128xf32, #tpu.memory_space<vmem>>) target(%dma_start3A_160 : memref<10240x128xf32, #tpu.memory_space<vmem_shared>>) offsets(%dma_start3A_157 : memref<128xi32, #tpu.memory_space<vmem>>) semaphore(%run_scoped3A_154 : memref<!tpu.dma_semaphore, #tpu.memory_space<semaphore_mem>>) {add = true}
      %dma_wait3A_161 = arith.constant 0 : i32
      %dma_wait3A_162 = tpu.memref_slice %arg9[%run_scoped3A_93, %run_scoped3A_94, %dma_wait3A_161] : memref<40x2x128xi32, #tpu.memory_space<vmem>> -> memref<1x1x128xi32, #tpu.memory_space<vmem>>
      %dma_wait3A_163 = tpu.memref_squeeze %dma_wait3A_162 : memref<1x1x128xi32, #tpu.memory_space<vmem>> -> memref<128xi32, #tpu.memory_space<vmem>>
      %dma_wait3A_164 = arith.constant 0 : i32
      %dma_wait3A_165 = arith.constant 0 : i32
      %dma_wait3A_166 = tpu.memref_slice %arg8[%dma_wait3A_164, %dma_wait3A_165] : memref<10240x128xf32, #tpu.memory_space<vmem_shared>> -> memref<10240x128xf32, #tpu.memory_space<vmem_shared>>
      tpu.wait_indirect_dma semaphore(%run_scoped3A_154 : memref<!tpu.dma_semaphore, #tpu.memory_space<semaphore_mem>>) src(%arg11 : memref<128x128xf32, #tpu.memory_space<vmem>>) dst(%dma_wait3A_166 : memref<10240x128xf32, #tpu.memory_space<vmem_shared>>)
      tpu.yield
    }) : () -> ()
    %run_scoped3A_95 = arith.constant 39 : i32
    %run_scoped3A_96 = arith.constant 1 : i32
    "tpu.region"() ({
      %run_scoped3A_154 = tpu.sem_alloc : memref<!tpu.dma_semaphore, #tpu.memory_space<semaphore_mem>>
      %dma_start3A_155 = arith.constant 0 : i32
      %dma_start3A_156 = tpu.memref_slice %arg9[%run_scoped3A_95, %run_scoped3A_96, %dma_start3A_155] : memref<40x2x128xi32, #tpu.memory_space<vmem>> -> memref<1x1x128xi32, #tpu.memory_space<vmem>>
      %dma_start3A_157 = tpu.memref_squeeze %dma_start3A_156 : memref<1x1x128xi32, #tpu.memory_space<vmem>> -> memref<128xi32, #tpu.memory_space<vmem>>
      %dma_start3A_158 = arith.constant 0 : i32
      %dma_start3A_159 = tpu.memref_slice %arg14[%dma_start3A_158] : memref<10240xf32, #tpu.memory_space<vmem_shared>> -> memref<10240xf32, #tpu.memory_space<vmem_shared>>
      tpu.enqueue_indirect_dma source(%arg15 : memref<128xf32, #tpu.memory_space<vmem>>) target(%dma_start3A_159 : memref<10240xf32, #tpu.memory_space<vmem_shared>>) offsets(%dma_start3A_157 : memref<128xi32, #tpu.memory_space<vmem>>) semaphore(%run_scoped3A_154 : memref<!tpu.dma_semaphore, #tpu.memory_space<semaphore_mem>>) {add = true}
      %dma_wait3A_160 = arith.constant 0 : i32
      %dma_wait3A_161 = tpu.memref_slice %arg9[%run_scoped3A_95, %run_scoped3A_96, %dma_wait3A_160] : memref<40x2x128xi32, #tpu.memory_space<vmem>> -> memref<1x1x128xi32, #tpu.memory_space<vmem>>
      %dma_wait3A_162 = tpu.memref_squeeze %dma_wait3A_161 : memref<1x1x128xi32, #tpu.memory_space<vmem>> -> memref<128xi32, #tpu.memory_space<vmem>>
      %dma_wait3A_163 = arith.constant 0 : i32
      %dma_wait3A_164 = tpu.memref_slice %arg14[%dma_wait3A_163] : memref<10240xf32, #tpu.memory_space<vmem_shared>> -> memref<10240xf32, #tpu.memory_space<vmem_shared>>
      tpu.wait_indirect_dma semaphore(%run_scoped3A_154 : memref<!tpu.dma_semaphore, #tpu.memory_space<semaphore_mem>>) src(%arg15 : memref<128xf32, #tpu.memory_space<vmem>>) dst(%dma_wait3A_164 : memref<10240xf32, #tpu.memory_space<vmem_shared>>)
      tpu.yield
    }) : () -> ()
    %add3A_97 = arith.constant 40 : i32
    %add3A_98 = arith.addi %mul3A_52, %add3A_97 : i32
    "tpu.region"() ({
      %run_scoped3A_154 = tpu.sem_alloc : memref<!tpu.dma_semaphore, #tpu.memory_space<semaphore_mem>>
      %dma_start3A_155 = arith.constant 0 : i32
      %dma_start3A_156 = arith.constant 0 : i32
      %dma_start3A_157 = tpu.memref_slice %arg3[%add3A_98, %dma_start3A_155, %dma_start3A_156] : memref<2560x2x128xi32, #tpu.memory_space<hbm>> -> memref<40x2x128xi32, #tpu.memory_space<hbm>>
      %dma_start3A_158 = arith.constant 0 : i32
      %dma_start3A_159 = arith.constant 0 : i32
      %dma_start3A_160 = tpu.memref_slice %arg3[%add3A_98, %dma_start3A_158, %dma_start3A_159] : memref<2560x2x128xi32, #tpu.memory_space<hbm>> -> memref<40x2x128xi32, #tpu.memory_space<hbm>>
      tpu.enqueue_dma source(%dma_start3A_160 : memref<40x2x128xi32, #tpu.memory_space<hbm>>) target(%arg9 : memref<40x2x128xi32, #tpu.memory_space<vmem>>) target_semaphore(%run_scoped3A_154 : memref<!tpu.dma_semaphore, #tpu.memory_space<semaphore_mem>>)
      %dma_wait3A_161 = arith.constant 0 : i32
      %dma_wait3A_162 = arith.constant 0 : i32
      %dma_wait3A_163 = tpu.memref_slice %arg3[%add3A_98, %dma_wait3A_161, %dma_wait3A_162] : memref<2560x2x128xi32, #tpu.memory_space<hbm>> -> memref<40x2x128xi32, #tpu.memory_space<hbm>>
      %dma_wait3A_164 = arith.constant 0 : i32
      %dma_wait3A_165 = arith.constant 0 : i32
      %dma_wait3A_166 = tpu.memref_slice %arg3[%add3A_98, %dma_wait3A_164, %dma_wait3A_165] : memref<2560x2x128xi32, #tpu.memory_space<hbm>> -> memref<40x2x128xi32, #tpu.memory_space<hbm>>
      tpu.wait_dma2 semaphore(%run_scoped3A_154 : memref<!tpu.dma_semaphore, #tpu.memory_space<semaphore_mem>>) src(%dma_wait3A_166 : memref<40x2x128xi32, #tpu.memory_space<hbm>>) dst(%arg9 : memref<40x2x128xi32, #tpu.memory_space<vmem>>)
      tpu.yield
    }) : () -> ()
    %dma_start3A_99 = arith.constant 0 : i32
    %dma_start3A_100 = arith.constant 0 : i32
    %dma_start3A_101 = arith.constant 0 : i32
    %dma_start3A_102 = tpu.memref_slice %arg9[%dma_start3A_99, %dma_start3A_100, %dma_start3A_101] : memref<40x2x128xi32, #tpu.memory_space<vmem>> -> memref<1x1x128xi32, #tpu.memory_space<vmem>>
    %dma_start3A_103 = tpu.memref_squeeze %dma_start3A_102 : memref<1x1x128xi32, #tpu.memory_space<vmem>> -> memref<128xi32, #tpu.memory_space<vmem>>
    %dma_start3A_104 = arith.constant 0 : i32
    %dma_start3A_105 = arith.constant 0 : i32
    %dma_start3A_106 = tpu.memref_slice %arg2[%dma_start3A_104, %dma_start3A_105] : memref<10240x128xf32, #tpu.memory_space<hbm>> -> memref<10240x128xf32, #tpu.memory_space<hbm>>
    tpu.enqueue_indirect_dma source(%dma_start3A_106 : memref<10240x128xf32, #tpu.memory_space<hbm>>) target(%arg10 : memref<128x128xf32, #tpu.memory_space<vmem>>) offsets(%dma_start3A_103 : memref<128xi32, #tpu.memory_space<vmem>>) semaphore(%arg12 : memref<!tpu.dma_semaphore, #tpu.memory_space<semaphore_mem>>)
    %dma_start3A_107 = arith.constant 1 : i32
    %dma_start3A_108 = arith.constant 0 : i32
    %dma_start3A_109 = arith.constant 0 : i32
    %dma_start3A_110 = tpu.memref_slice %arg9[%dma_start3A_107, %dma_start3A_108, %dma_start3A_109] : memref<40x2x128xi32, #tpu.memory_space<vmem>> -> memref<1x1x128xi32, #tpu.memory_space<vmem>>
    %dma_start3A_111 = tpu.memref_squeeze %dma_start3A_110 : memref<1x1x128xi32, #tpu.memory_space<vmem>> -> memref<128xi32, #tpu.memory_space<vmem>>
    %dma_start3A_112 = arith.constant 0 : i32
    %dma_start3A_113 = arith.constant 0 : i32
    %dma_start3A_114 = tpu.memref_slice %arg2[%dma_start3A_112, %dma_start3A_113] : memref<10240x128xf32, #tpu.memory_space<hbm>> -> memref<10240x128xf32, #tpu.memory_space<hbm>>
    tpu.enqueue_indirect_dma source(%dma_start3A_114 : memref<10240x128xf32, #tpu.memory_space<hbm>>) target(%arg11 : memref<128x128xf32, #tpu.memory_space<vmem>>) offsets(%dma_start3A_111 : memref<128xi32, #tpu.memory_space<vmem>>) semaphore(%arg13 : memref<!tpu.dma_semaphore, #tpu.memory_space<semaphore_mem>>)
    %scan3A_115 = arith.constant 0 : i32
    %scan3A_116 = arith.constant 0 : i32
    %scan3A_117 = arith.constant 19 : i32
    %scan3A_118 = arith.addi %scan3A_116, %scan3A_117 : i32
    %scan3A_119 = arith.constant 1 : i32
    scf.for %scan3A_154 = %scan3A_116 to %scan3A_118 step %scan3A_119  : i32 {
      %mul3A_155 = arith.constant 2 : i32
      %mul3A_156 = arith.muli %scan3A_154, %mul3A_155 : i32
      %add3A_157 = arith.constant 0 : i32
      %add3A_158 = arith.addi %mul3A_156, %add3A_157 : i32
      %dma_wait3A_159 = arith.constant 0 : i32
      %dma_wait3A_160 = arith.constant 0 : i32
      %dma_wait3A_161 = arith.constant 0 : i32
      %dma_wait3A_162 = tpu.memref_slice %arg9[%dma_wait3A_159, %dma_wait3A_160, %dma_wait3A_161] : memref<40x2x128xi32, #tpu.memory_space<vmem>> -> memref<1x1x128xi32, #tpu.memory_space<vmem>>
      %dma_wait3A_163 = tpu.memref_squeeze %dma_wait3A_162 : memref<1x1x128xi32, #tpu.memory_space<vmem>> -> memref<128xi32, #tpu.memory_space<vmem>>
      %dma_wait3A_164 = arith.constant 0 : i32
      %dma_wait3A_165 = arith.constant 0 : i32
      %dma_wait3A_166 = tpu.memref_slice %arg2[%dma_wait3A_164, %dma_wait3A_165] : memref<10240x128xf32, #tpu.memory_space<hbm>> -> memref<10240x128xf32, #tpu.memory_space<hbm>>
      tpu.wait_indirect_dma semaphore(%arg12 : memref<!tpu.dma_semaphore, #tpu.memory_space<semaphore_mem>>) src(%dma_wait3A_166 : memref<10240x128xf32, #tpu.memory_space<hbm>>) dst(%arg10 : memref<128x128xf32, #tpu.memory_space<vmem>>)
      %run_scoped3A_167 = arith.constant 1 : i32
      "tpu.region"() ({
        %run_scoped3A_201 = tpu.sem_alloc : memref<!tpu.dma_semaphore, #tpu.memory_space<semaphore_mem>>
        %dma_start3A_202 = arith.constant 0 : i32
        %dma_start3A_203 = tpu.memref_slice %arg9[%add3A_158, %run_scoped3A_167, %dma_start3A_202] : memref<40x2x128xi32, #tpu.memory_space<vmem>> -> memref<1x1x128xi32, #tpu.memory_space<vmem>>
        %dma_start3A_204 = tpu.memref_squeeze %dma_start3A_203 : memref<1x1x128xi32, #tpu.memory_space<vmem>> -> memref<128xi32, #tpu.memory_space<vmem>>
        %dma_start3A_205 = arith.constant 0 : i32
        %dma_start3A_206 = arith.constant 0 : i32
        %dma_start3A_207 = tpu.memref_slice %arg8[%dma_start3A_205, %dma_start3A_206] : memref<10240x128xf32, #tpu.memory_space<vmem_shared>> -> memref<10240x128xf32, #tpu.memory_space<vmem_shared>>
        tpu.enqueue_indirect_dma source(%arg10 : memref<128x128xf32, #tpu.memory_space<vmem>>) target(%dma_start3A_207 : memref<10240x128xf32, #tpu.memory_space<vmem_shared>>) offsets(%dma_start3A_204 : memref<128xi32, #tpu.memory_space<vmem>>) semaphore(%run_scoped3A_201 : memref<!tpu.dma_semaphore, #tpu.memory_space<semaphore_mem>>) {add = true}
        %dma_wait3A_208 = arith.constant 0 : i32
        %dma_wait3A_209 = tpu.memref_slice %arg9[%add3A_158, %run_scoped3A_167, %dma_wait3A_208] : memref<40x2x128xi32, #tpu.memory_space<vmem>> -> memref<1x1x128xi32, #tpu.memory_space<vmem>>
        %dma_wait3A_210 = tpu.memref_squeeze %dma_wait3A_209 : memref<1x1x128xi32, #tpu.memory_space<vmem>> -> memref<128xi32, #tpu.memory_space<vmem>>
        %dma_wait3A_211 = arith.constant 0 : i32
        %dma_wait3A_212 = arith.constant 0 : i32
        %dma_wait3A_213 = tpu.memref_slice %arg8[%dma_wait3A_211, %dma_wait3A_212] : memref<10240x128xf32, #tpu.memory_space<vmem_shared>> -> memref<10240x128xf32, #tpu.memory_space<vmem_shared>>
        tpu.wait_indirect_dma semaphore(%run_scoped3A_201 : memref<!tpu.dma_semaphore, #tpu.memory_space<semaphore_mem>>) src(%arg10 : memref<128x128xf32, #tpu.memory_space<vmem>>) dst(%dma_wait3A_213 : memref<10240x128xf32, #tpu.memory_space<vmem_shared>>)
        tpu.yield
      }) : () -> ()
      %run_scoped3A_168 = arith.constant 1 : i32
      "tpu.region"() ({
        %run_scoped3A_201 = tpu.sem_alloc : memref<!tpu.dma_semaphore, #tpu.memory_space<semaphore_mem>>
        %dma_start3A_202 = arith.constant 0 : i32
        %dma_start3A_203 = tpu.memref_slice %arg9[%add3A_158, %run_scoped3A_168, %dma_start3A_202] : memref<40x2x128xi32, #tpu.memory_space<vmem>> -> memref<1x1x128xi32, #tpu.memory_space<vmem>>
        %dma_start3A_204 = tpu.memref_squeeze %dma_start3A_203 : memref<1x1x128xi32, #tpu.memory_space<vmem>> -> memref<128xi32, #tpu.memory_space<vmem>>
        %dma_start3A_205 = arith.constant 0 : i32
        %dma_start3A_206 = tpu.memref_slice %arg14[%dma_start3A_205] : memref<10240xf32, #tpu.memory_space<vmem_shared>> -> memref<10240xf32, #tpu.memory_space<vmem_shared>>
        tpu.enqueue_indirect_dma source(%arg15 : memref<128xf32, #tpu.memory_space<vmem>>) target(%dma_start3A_206 : memref<10240xf32, #tpu.memory_space<vmem_shared>>) offsets(%dma_start3A_204 : memref<128xi32, #tpu.memory_space<vmem>>) semaphore(%run_scoped3A_201 : memref<!tpu.dma_semaphore, #tpu.memory_space<semaphore_mem>>) {add = true}
        %dma_wait3A_207 = arith.constant 0 : i32
        %dma_wait3A_208 = tpu.memref_slice %arg9[%add3A_158, %run_scoped3A_168, %dma_wait3A_207] : memref<40x2x128xi32, #tpu.memory_space<vmem>> -> memref<1x1x128xi32, #tpu.memory_space<vmem>>
        %dma_wait3A_209 = tpu.memref_squeeze %dma_wait3A_208 : memref<1x1x128xi32, #tpu.memory_space<vmem>> -> memref<128xi32, #tpu.memory_space<vmem>>
        %dma_wait3A_210 = arith.constant 0 : i32
        %dma_wait3A_211 = tpu.memref_slice %arg14[%dma_wait3A_210] : memref<10240xf32, #tpu.memory_space<vmem_shared>> -> memref<10240xf32, #tpu.memory_space<vmem_shared>>
        tpu.wait_indirect_dma semaphore(%run_scoped3A_201 : memref<!tpu.dma_semaphore, #tpu.memory_space<semaphore_mem>>) src(%arg15 : memref<128xf32, #tpu.memory_space<vmem>>) dst(%dma_wait3A_211 : memref<10240xf32, #tpu.memory_space<vmem_shared>>)
        tpu.yield
      }) : () -> ()
      %add3A_169 = arith.constant 2 : i32
      %add3A_170 = arith.addi %add3A_158, %add3A_169 : i32
      %dma_start3A_171 = arith.constant 0 : i32
      %dma_start3A_172 = arith.constant 0 : i32
      %dma_start3A_173 = tpu.memref_slice %arg9[%add3A_170, %dma_start3A_171, %dma_start3A_172] : memref<40x2x128xi32, #tpu.memory_space<vmem>> -> memref<1x1x128xi32, #tpu.memory_space<vmem>>
      %dma_start3A_174 = tpu.memref_squeeze %dma_start3A_173 : memref<1x1x128xi32, #tpu.memory_space<vmem>> -> memref<128xi32, #tpu.memory_space<vmem>>
      %dma_start3A_175 = arith.constant 0 : i32
      %dma_start3A_176 = arith.constant 0 : i32
      %dma_start3A_177 = tpu.memref_slice %arg2[%dma_start3A_175, %dma_start3A_176] : memref<10240x128xf32, #tpu.memory_space<hbm>> -> memref<10240x128xf32, #tpu.memory_space<hbm>>
      tpu.enqueue_indirect_dma source(%dma_start3A_177 : memref<10240x128xf32, #tpu.memory_space<hbm>>) target(%arg10 : memref<128x128xf32, #tpu.memory_space<vmem>>) offsets(%dma_start3A_174 : memref<128xi32, #tpu.memory_space<vmem>>) semaphore(%arg12 : memref<!tpu.dma_semaphore, #tpu.memory_space<semaphore_mem>>)
      %mul3A_178 = arith.constant 2 : i32
      %mul3A_179 = arith.muli %scan3A_154, %mul3A_178 : i32
      %add3A_180 = arith.constant 1 : i32
      %add3A_181 = arith.addi %mul3A_179, %add3A_180 : i32
      %dma_wait3A_182 = arith.constant 0 : i32
      %dma_wait3A_183 = arith.constant 0 : i32
      %dma_wait3A_184 = arith.constant 0 : i32
      %dma_wait3A_185 = tpu.memref_slice %arg9[%dma_wait3A_182, %dma_wait3A_183, %dma_wait3A_184] : memref<40x2x128xi32, #tpu.memory_space<vmem>> -> memref<1x1x128xi32, #tpu.memory_space<vmem>>
      %dma_wait3A_186 = tpu.memref_squeeze %dma_wait3A_185 : memref<1x1x128xi32, #tpu.memory_space<vmem>> -> memref<128xi32, #tpu.memory_space<vmem>>
      %dma_wait3A_187 = arith.constant 0 : i32
      %dma_wait3A_188 = arith.constant 0 : i32
      %dma_wait3A_189 = tpu.memref_slice %arg2[%dma_wait3A_187, %dma_wait3A_188] : memref<10240x128xf32, #tpu.memory_space<hbm>> -> memref<10240x128xf32, #tpu.memory_space<hbm>>
      tpu.wait_indirect_dma semaphore(%arg13 : memref<!tpu.dma_semaphore, #tpu.memory_space<semaphore_mem>>) src(%dma_wait3A_189 : memref<10240x128xf32, #tpu.memory_space<hbm>>) dst(%arg11 : memref<128x128xf32, #tpu.memory_space<vmem>>)
      %run_scoped3A_190 = arith.constant 1 : i32
      "tpu.region"() ({
        %run_scoped3A_201 = tpu.sem_alloc : memref<!tpu.dma_semaphore, #tpu.memory_space<semaphore_mem>>
        %dma_start3A_202 = arith.constant 0 : i32
        %dma_start3A_203 = tpu.memref_slice %arg9[%add3A_181, %run_scoped3A_190, %dma_start3A_202] : memref<40x2x128xi32, #tpu.memory_space<vmem>> -> memref<1x1x128xi32, #tpu.memory_space<vmem>>
        %dma_start3A_204 = tpu.memref_squeeze %dma_start3A_203 : memref<1x1x128xi32, #tpu.memory_space<vmem>> -> memref<128xi32, #tpu.memory_space<vmem>>
        %dma_start3A_205 = arith.constant 0 : i32
        %dma_start3A_206 = arith.constant 0 : i32
        %dma_start3A_207 = tpu.memref_slice %arg8[%dma_start3A_205, %dma_start3A_206] : memref<10240x128xf32, #tpu.memory_space<vmem_shared>> -> memref<10240x128xf32, #tpu.memory_space<vmem_shared>>
        tpu.enqueue_indirect_dma source(%arg11 : memref<128x128xf32, #tpu.memory_space<vmem>>) target(%dma_start3A_207 : memref<10240x128xf32, #tpu.memory_space<vmem_shared>>) offsets(%dma_start3A_204 : memref<128xi32, #tpu.memory_space<vmem>>) semaphore(%run_scoped3A_201 : memref<!tpu.dma_semaphore, #tpu.memory_space<semaphore_mem>>) {add = true}
        %dma_wait3A_208 = arith.constant 0 : i32
        %dma_wait3A_209 = tpu.memref_slice %arg9[%add3A_181, %run_scoped3A_190, %dma_wait3A_208] : memref<40x2x128xi32, #tpu.memory_space<vmem>> -> memref<1x1x128xi32, #tpu.memory_space<vmem>>
        %dma_wait3A_210 = tpu.memref_squeeze %dma_wait3A_209 : memref<1x1x128xi32, #tpu.memory_space<vmem>> -> memref<128xi32, #tpu.memory_space<vmem>>
        %dma_wait3A_211 = arith.constant 0 : i32
        %dma_wait3A_212 = arith.constant 0 : i32
        %dma_wait3A_213 = tpu.memref_slice %arg8[%dma_wait3A_211, %dma_wait3A_212] : memref<10240x128xf32, #tpu.memory_space<vmem_shared>> -> memref<10240x128xf32, #tpu.memory_space<vmem_shared>>
        tpu.wait_indirect_dma semaphore(%run_scoped3A_201 : memref<!tpu.dma_semaphore, #tpu.memory_space<semaphore_mem>>) src(%arg11 : memref<128x128xf32, #tpu.memory_space<vmem>>) dst(%dma_wait3A_213 : memref<10240x128xf32, #tpu.memory_space<vmem_shared>>)
        tpu.yield
      }) : () -> ()
      %run_scoped3A_191 = arith.constant 1 : i32
      "tpu.region"() ({
        %run_scoped3A_201 = tpu.sem_alloc : memref<!tpu.dma_semaphore, #tpu.memory_space<semaphore_mem>>
        %dma_start3A_202 = arith.constant 0 : i32
        %dma_start3A_203 = tpu.memref_slice %arg9[%add3A_181, %run_scoped3A_191, %dma_start3A_202] : memref<40x2x128xi32, #tpu.memory_space<vmem>> -> memref<1x1x128xi32, #tpu.memory_space<vmem>>
        %dma_start3A_204 = tpu.memref_squeeze %dma_start3A_203 : memref<1x1x128xi32, #tpu.memory_space<vmem>> -> memref<128xi32, #tpu.memory_space<vmem>>
        %dma_start3A_205 = arith.constant 0 : i32
        %dma_start3A_206 = tpu.memref_slice %arg14[%dma_start3A_205] : memref<10240xf32, #tpu.memory_space<vmem_shared>> -> memref<10240xf32, #tpu.memory_space<vmem_shared>>
        tpu.enqueue_indirect_dma source(%arg15 : memref<128xf32, #tpu.memory_space<vmem>>) target(%dma_start3A_206 : memref<10240xf32, #tpu.memory_space<vmem_shared>>) offsets(%dma_start3A_204 : memref<128xi32, #tpu.memory_space<vmem>>) semaphore(%run_scoped3A_201 : memref<!tpu.dma_semaphore, #tpu.memory_space<semaphore_mem>>) {add = true}
        %dma_wait3A_207 = arith.constant 0 : i32
        %dma_wait3A_208 = tpu.memref_slice %arg9[%add3A_181, %run_scoped3A_191, %dma_wait3A_207] : memref<40x2x128xi32, #tpu.memory_space<vmem>> -> memref<1x1x128xi32, #tpu.memory_space<vmem>>
        %dma_wait3A_209 = tpu.memref_squeeze %dma_wait3A_208 : memref<1x1x128xi32, #tpu.memory_space<vmem>> -> memref<128xi32, #tpu.memory_space<vmem>>
        %dma_wait3A_210 = arith.constant 0 : i32
        %dma_wait3A_211 = tpu.memref_slice %arg14[%dma_wait3A_210] : memref<10240xf32, #tpu.memory_space<vmem_shared>> -> memref<10240xf32, #tpu.memory_space<vmem_shared>>
        tpu.wait_indirect_dma semaphore(%run_scoped3A_201 : memref<!tpu.dma_semaphore, #tpu.memory_space<semaphore_mem>>) src(%arg15 : memref<128xf32, #tpu.memory_space<vmem>>) dst(%dma_wait3A_211 : memref<10240xf32, #tpu.memory_space<vmem_shared>>)
        tpu.yield
      }) : () -> ()
      %add3A_192 = arith.constant 2 : i32
      %add3A_193 = arith.addi %add3A_181, %add3A_192 : i32
      %dma_start3A_194 = arith.constant 0 : i32
      %dma_start3A_195 = arith.constant 0 : i32
      %dma_start3A_196 = tpu.memref_slice %arg9[%add3A_193, %dma_start3A_194, %dma_start3A_195] : memref<40x2x128xi32, #tpu.memory_space<vmem>> -> memref<1x1x128xi32, #tpu.memory_space<vmem>>
      %dma_start3A_197 = tpu.memref_squeeze %dma_start3A_196 : memref<1x1x128xi32, #tpu.memory_space<vmem>> -> memref<128xi32, #tpu.memory_space<vmem>>
      %dma_start3A_198 = arith.constant 0 : i32
      %dma_start3A_199 = arith.constant 0 : i32
      %dma_start3A_200 = tpu.memref_slice %arg2[%dma_start3A_198, %dma_start3A_199] : memref<10240x128xf32, #tpu.memory_space<hbm>> -> memref<10240x128xf32, #tpu.memory_space<hbm>>
      tpu.enqueue_indirect_dma source(%dma_start3A_200 : memref<10240x128xf32, #tpu.memory_space<hbm>>) target(%arg11 : memref<128x128xf32, #tpu.memory_space<vmem>>) offsets(%dma_start3A_197 : memref<128xi32, #tpu.memory_space<vmem>>) semaphore(%arg13 : memref<!tpu.dma_semaphore, #tpu.memory_space<semaphore_mem>>)
    }
    %scan3A_120 = arith.constant 19 : i32
    %dma_wait3A_121 = arith.constant 0 : i32
    %dma_wait3A_122 = arith.constant 0 : i32
    %dma_wait3A_123 = arith.constant 0 : i32
    %dma_wait3A_124 = tpu.memref_slice %arg9[%dma_wait3A_121, %dma_wait3A_122, %dma_wait3A_123] : memref<40x2x128xi32, #tpu.memory_space<vmem>> -> memref<1x1x128xi32, #tpu.memory_space<vmem>>
    %dma_wait3A_125 = tpu.memref_squeeze %dma_wait3A_124 : memref<1x1x128xi32, #tpu.memory_space<vmem>> -> memref<128xi32, #tpu.memory_space<vmem>>
    %dma_wait3A_126 = arith.constant 0 : i32
    %dma_wait3A_127 = arith.constant 0 : i32
    %dma_wait3A_128 = tpu.memref_slice %arg2[%dma_wait3A_126, %dma_wait3A_127] : memref<10240x128xf32, #tpu.memory_space<hbm>> -> memref<10240x128xf32, #tpu.memory_space<hbm>>
    tpu.wait_indirect_dma semaphore(%arg12 : memref<!tpu.dma_semaphore, #tpu.memory_space<semaphore_mem>>) src(%dma_wait3A_128 : memref<10240x128xf32, #tpu.memory_space<hbm>>) dst(%arg10 : memref<128x128xf32, #tpu.memory_space<vmem>>)
    %run_scoped3A_129 = arith.constant 38 : i32
    %run_scoped3A_130 = arith.constant 1 : i32
    "tpu.region"() ({
      %run_scoped3A_154 = tpu.sem_alloc : memref<!tpu.dma_semaphore, #tpu.memory_space<semaphore_mem>>
      %dma_start3A_155 = arith.constant 0 : i32
      %dma_start3A_156 = tpu.memref_slice %arg9[%run_scoped3A_129, %run_scoped3A_130, %dma_start3A_155] : memref<40x2x128xi32, #tpu.memory_space<vmem>> -> memref<1x1x128xi32, #tpu.memory_space<vmem>>
      %dma_start3A_157 = tpu.memref_squeeze %dma_start3A_156 : memref<1x1x128xi32, #tpu.memory_space<vmem>> -> memref<128xi32, #tpu.memory_space<vmem>>
      %dma_start3A_158 = arith.constant 0 : i32
      %dma_start3A_159 = arith.constant 0 : i32
      %dma_start3A_160 = tpu.memref_slice %arg8[%dma_start3A_158, %dma_start3A_159] : memref<10240x128xf32, #tpu.memory_space<vmem_shared>> -> memref<10240x128xf32, #tpu.memory_space<vmem_shared>>
      tpu.enqueue_indirect_dma source(%arg10 : memref<128x128xf32, #tpu.memory_space<vmem>>) target(%dma_start3A_160 : memref<10240x128xf32, #tpu.memory_space<vmem_shared>>) offsets(%dma_start3A_157 : memref<128xi32, #tpu.memory_space<vmem>>) semaphore(%run_scoped3A_154 : memref<!tpu.dma_semaphore, #tpu.memory_space<semaphore_mem>>) {add = true}
      %dma_wait3A_161 = arith.constant 0 : i32
      %dma_wait3A_162 = tpu.memref_slice %arg9[%run_scoped3A_129, %run_scoped3A_130, %dma_wait3A_161] : memref<40x2x128xi32, #tpu.memory_space<vmem>> -> memref<1x1x128xi32, #tpu.memory_space<vmem>>
      %dma_wait3A_163 = tpu.memref_squeeze %dma_wait3A_162 : memref<1x1x128xi32, #tpu.memory_space<vmem>> -> memref<128xi32, #tpu.memory_space<vmem>>
      %dma_wait3A_164 = arith.constant 0 : i32
      %dma_wait3A_165 = arith.constant 0 : i32
      %dma_wait3A_166 = tpu.memref_slice %arg8[%dma_wait3A_164, %dma_wait3A_165] : memref<10240x128xf32, #tpu.memory_space<vmem_shared>> -> memref<10240x128xf32, #tpu.memory_space<vmem_shared>>
      tpu.wait_indirect_dma semaphore(%run_scoped3A_154 : memref<!tpu.dma_semaphore, #tpu.memory_space<semaphore_mem>>) src(%arg10 : memref<128x128xf32, #tpu.memory_space<vmem>>) dst(%dma_wait3A_166 : memref<10240x128xf32, #tpu.memory_space<vmem_shared>>)
      tpu.yield
    }) : () -> ()
    %run_scoped3A_131 = arith.constant 38 : i32
    %run_scoped3A_132 = arith.constant 1 : i32
    "tpu.region"() ({
      %run_scoped3A_154 = tpu.sem_alloc : memref<!tpu.dma_semaphore, #tpu.memory_space<semaphore_mem>>
      %dma_start3A_155 = arith.constant 0 : i32
      %dma_start3A_156 = tpu.memref_slice %arg9[%run_scoped3A_131, %run_scoped3A_132, %dma_start3A_155] : memref<40x2x128xi32, #tpu.memory_space<vmem>> -> memref<1x1x128xi32, #tpu.memory_space<vmem>>
      %dma_start3A_157 = tpu.memref_squeeze %dma_start3A_156 : memref<1x1x128xi32, #tpu.memory_space<vmem>> -> memref<128xi32, #tpu.memory_space<vmem>>
      %dma_start3A_158 = arith.constant 0 : i32
      %dma_start3A_159 = tpu.memref_slice %arg14[%dma_start3A_158] : memref<10240xf32, #tpu.memory_space<vmem_shared>> -> memref<10240xf32, #tpu.memory_space<vmem_shared>>
      tpu.enqueue_indirect_dma source(%arg15 : memref<128xf32, #tpu.memory_space<vmem>>) target(%dma_start3A_159 : memref<10240xf32, #tpu.memory_space<vmem_shared>>) offsets(%dma_start3A_157 : memref<128xi32, #tpu.memory_space<vmem>>) semaphore(%run_scoped3A_154 : memref<!tpu.dma_semaphore, #tpu.memory_space<semaphore_mem>>) {add = true}
      %dma_wait3A_160 = arith.constant 0 : i32
      %dma_wait3A_161 = tpu.memref_slice %arg9[%run_scoped3A_131, %run_scoped3A_132, %dma_wait3A_160] : memref<40x2x128xi32, #tpu.memory_space<vmem>> -> memref<1x1x128xi32, #tpu.memory_space<vmem>>
      %dma_wait3A_162 = tpu.memref_squeeze %dma_wait3A_161 : memref<1x1x128xi32, #tpu.memory_space<vmem>> -> memref<128xi32, #tpu.memory_space<vmem>>
      %dma_wait3A_163 = arith.constant 0 : i32
      %dma_wait3A_164 = tpu.memref_slice %arg14[%dma_wait3A_163] : memref<10240xf32, #tpu.memory_space<vmem_shared>> -> memref<10240xf32, #tpu.memory_space<vmem_shared>>
      tpu.wait_indirect_dma semaphore(%run_scoped3A_154 : memref<!tpu.dma_semaphore, #tpu.memory_space<semaphore_mem>>) src(%arg15 : memref<128xf32, #tpu.memory_space<vmem>>) dst(%dma_wait3A_164 : memref<10240xf32, #tpu.memory_space<vmem_shared>>)
      tpu.yield
    }) : () -> ()
    %dma_wait3A_133 = arith.constant 0 : i32
    %dma_wait3A_134 = arith.constant 0 : i32
    %dma_wait3A_135 = arith.constant 0 : i32
    %dma_wait3A_136 = tpu.memref_slice %arg9[%dma_wait3A_133, %dma_wait3A_134, %dma_wait3A_135] : memref<40x2x128xi32, #tpu.memory_space<vmem>> -> memref<1x1x128xi32, #tpu.memory_space<vmem>>
    %dma_wait3A_137 = tpu.memref_squeeze %dma_wait3A_136 : memref<1x1x128xi32, #tpu.memory_space<vmem>> -> memref<128xi32, #tpu.memory_space<vmem>>
    %dma_wait3A_138 = arith.constant 0 : i32
    %dma_wait3A_139 = arith.constant 0 : i32
    %dma_wait3A_140 = tpu.memref_slice %arg2[%dma_wait3A_138, %dma_wait3A_139] : memref<10240x128xf32, #tpu.memory_space<hbm>> -> memref<10240x128xf32, #tpu.memory_space<hbm>>
    tpu.wait_indirect_dma semaphore(%arg13 : memref<!tpu.dma_semaphore, #tpu.memory_space<semaphore_mem>>) src(%dma_wait3A_140 : memref<10240x128xf32, #tpu.memory_space<hbm>>) dst(%arg11 : memref<128x128xf32, #tpu.memory_space<vmem>>)
    %run_scoped3A_141 = arith.constant 39 : i32
    %run_scoped3A_142 = arith.constant 1 : i32
    "tpu.region"() ({
      %run_scoped3A_154 = tpu.sem_alloc : memref<!tpu.dma_semaphore, #tpu.memory_space<semaphore_mem>>
      %dma_start3A_155 = arith.constant 0 : i32
      %dma_start3A_156 = tpu.memref_slice %arg9[%run_scoped3A_141, %run_scoped3A_142, %dma_start3A_155] : memref<40x2x128xi32, #tpu.memory_space<vmem>> -> memref<1x1x128xi32, #tpu.memory_space<vmem>>
      %dma_start3A_157 = tpu.memref_squeeze %dma_start3A_156 : memref<1x1x128xi32, #tpu.memory_space<vmem>> -> memref<128xi32, #tpu.memory_space<vmem>>
      %dma_start3A_158 = arith.constant 0 : i32
      %dma_start3A_159 = arith.constant 0 : i32
      %dma_start3A_160 = tpu.memref_slice %arg8[%dma_start3A_158, %dma_start3A_159] : memref<10240x128xf32, #tpu.memory_space<vmem_shared>> -> memref<10240x128xf32, #tpu.memory_space<vmem_shared>>
      tpu.enqueue_indirect_dma source(%arg11 : memref<128x128xf32, #tpu.memory_space<vmem>>) target(%dma_start3A_160 : memref<10240x128xf32, #tpu.memory_space<vmem_shared>>) offsets(%dma_start3A_157 : memref<128xi32, #tpu.memory_space<vmem>>) semaphore(%run_scoped3A_154 : memref<!tpu.dma_semaphore, #tpu.memory_space<semaphore_mem>>) {add = true}
      %dma_wait3A_161 = arith.constant 0 : i32
      %dma_wait3A_162 = tpu.memref_slice %arg9[%run_scoped3A_141, %run_scoped3A_142, %dma_wait3A_161] : memref<40x2x128xi32, #tpu.memory_space<vmem>> -> memref<1x1x128xi32, #tpu.memory_space<vmem>>
      %dma_wait3A_163 = tpu.memref_squeeze %dma_wait3A_162 : memref<1x1x128xi32, #tpu.memory_space<vmem>> -> memref<128xi32, #tpu.memory_space<vmem>>
      %dma_wait3A_164 = arith.constant 0 : i32
      %dma_wait3A_165 = arith.constant 0 : i32
      %dma_wait3A_166 = tpu.memref_slice %arg8[%dma_wait3A_164, %dma_wait3A_165] : memref<10240x128xf32, #tpu.memory_space<vmem_shared>> -> memref<10240x128xf32, #tpu.memory_space<vmem_shared>>
      tpu.wait_indirect_dma semaphore(%run_scoped3A_154 : memref<!tpu.dma_semaphore, #tpu.memory_space<semaphore_mem>>) src(%arg11 : memref<128x128xf32, #tpu.memory_space<vmem>>) dst(%dma_wait3A_166 : memref<10240x128xf32, #tpu.memory_space<vmem_shared>>)
      tpu.yield
    }) : () -> ()
    %run_scoped3A_143 = arith.constant 39 : i32
    %run_scoped3A_144 = arith.constant 1 : i32
    "tpu.region"() ({
      %run_scoped3A_154 = tpu.sem_alloc : memref<!tpu.dma_semaphore, #tpu.memory_space<semaphore_mem>>
      %dma_start3A_155 = arith.constant 0 : i32
      %dma_start3A_156 = tpu.memref_slice %arg9[%run_scoped3A_143, %run_scoped3A_144, %dma_start3A_155] : memref<40x2x128xi32, #tpu.memory_space<vmem>> -> memref<1x1x128xi32, #tpu.memory_space<vmem>>
      %dma_start3A_157 = tpu.memref_squeeze %dma_start3A_156 : memref<1x1x128xi32, #tpu.memory_space<vmem>> -> memref<128xi32, #tpu.memory_space<vmem>>
      %dma_start3A_158 = arith.constant 0 : i32
      %dma_start3A_159 = tpu.memref_slice %arg14[%dma_start3A_158] : memref<10240xf32, #tpu.memory_space<vmem_shared>> -> memref<10240xf32, #tpu.memory_space<vmem_shared>>
      tpu.enqueue_indirect_dma source(%arg15 : memref<128xf32, #tpu.memory_space<vmem>>) target(%dma_start3A_159 : memref<10240xf32, #tpu.memory_space<vmem_shared>>) offsets(%dma_start3A_157 : memref<128xi32, #tpu.memory_space<vmem>>) semaphore(%run_scoped3A_154 : memref<!tpu.dma_semaphore, #tpu.memory_space<semaphore_mem>>) {add = true}
      %dma_wait3A_160 = arith.constant 0 : i32
      %dma_wait3A_161 = tpu.memref_slice %arg9[%run_scoped3A_143, %run_scoped3A_144, %dma_wait3A_160] : memref<40x2x128xi32, #tpu.memory_space<vmem>> -> memref<1x1x128xi32, #tpu.memory_space<vmem>>
      %dma_wait3A_162 = tpu.memref_squeeze %dma_wait3A_161 : memref<1x1x128xi32, #tpu.memory_space<vmem>> -> memref<128xi32, #tpu.memory_space<vmem>>
      %dma_wait3A_163 = arith.constant 0 : i32
      %dma_wait3A_164 = tpu.memref_slice %arg14[%dma_wait3A_163] : memref<10240xf32, #tpu.memory_space<vmem_shared>> -> memref<10240xf32, #tpu.memory_space<vmem_shared>>
      tpu.wait_indirect_dma semaphore(%run_scoped3A_154 : memref<!tpu.dma_semaphore, #tpu.memory_space<semaphore_mem>>) src(%arg15 : memref<128xf32, #tpu.memory_space<vmem>>) dst(%dma_wait3A_164 : memref<10240xf32, #tpu.memory_space<vmem_shared>>)
      tpu.yield
    }) : () -> ()
    %barrier3A_145 = arith.constant 0 : index
    tpu.barrier barrier_id(%barrier3A_145)
    %mul3A_146 = arith.constant 640 : i32
    %mul3A_147 = arith.muli %arg1, %mul3A_146 : i32
    %mul3A_148 = arith.constant 640 : i32
    %mul3A_149 = arith.muli %arg1, %mul3A_148 : i32
    "tpu.region"() ({
      %run_scoped3A_154 = tpu.sem_alloc : memref<!tpu.dma_semaphore, #tpu.memory_space<semaphore_mem>>
      %dma_start3A_155 = arith.constant 0 : i32
      %dma_start3A_156 = tpu.memref_slice %arg6[%arg0, %mul3A_149, %dma_start3A_155] : memref<2x10240x128xf32, #tpu.memory_space<hbm>> -> memref<1x640x128xf32, #tpu.memory_space<hbm>>
      %dma_start3A_157 = tpu.memref_squeeze %dma_start3A_156 : memref<1x640x128xf32, #tpu.memory_space<hbm>> -> memref<640x128xf32, #tpu.memory_space<hbm>>
      %dma_start3A_158 = arith.constant 0 : i32
      %dma_start3A_159 = tpu.memref_slice %arg8[%mul3A_147, %dma_start3A_158] : memref<10240x128xf32, #tpu.memory_space<vmem_shared>> -> memref<640x128xf32, #tpu.memory_space<vmem_shared>>
      tpu.enqueue_dma source(%dma_start3A_159 : memref<640x128xf32, #tpu.memory_space<vmem_shared>>) target(%dma_start3A_157 : memref<640x128xf32, #tpu.memory_space<hbm>>) target_semaphore(%run_scoped3A_154 : memref<!tpu.dma_semaphore, #tpu.memory_space<semaphore_mem>>)
      %dma_wait3A_160 = arith.constant 0 : i32
      %dma_wait3A_161 = tpu.memref_slice %arg6[%arg0, %mul3A_149, %dma_wait3A_160] : memref<2x10240x128xf32, #tpu.memory_space<hbm>> -> memref<1x640x128xf32, #tpu.memory_space<hbm>>
      %dma_wait3A_162 = tpu.memref_squeeze %dma_wait3A_161 : memref<1x640x128xf32, #tpu.memory_space<hbm>> -> memref<640x128xf32, #tpu.memory_space<hbm>>
      %dma_wait3A_163 = arith.constant 0 : i32
      %dma_wait3A_164 = tpu.memref_slice %arg8[%mul3A_147, %dma_wait3A_163] : memref<10240x128xf32, #tpu.memory_space<vmem_shared>> -> memref<640x128xf32, #tpu.memory_space<vmem_shared>>
      tpu.wait_dma2 semaphore(%run_scoped3A_154 : memref<!tpu.dma_semaphore, #tpu.memory_space<semaphore_mem>>) src(%dma_wait3A_164 : memref<640x128xf32, #tpu.memory_space<vmem_shared>>) dst(%dma_wait3A_162 : memref<640x128xf32, #tpu.memory_space<hbm>>)
      tpu.yield
    }) : () -> ()
    %mul3A_150 = arith.constant 640 : i32
    %mul3A_151 = arith.muli %arg1, %mul3A_150 : i32
    %mul3A_152 = arith.constant 640 : i32
    %mul3A_153 = arith.muli %arg1, %mul3A_152 : i32
    "tpu.region"() ({
      %run_scoped3A_154 = tpu.sem_alloc : memref<!tpu.dma_semaphore, #tpu.memory_space<semaphore_mem>>
      %dma_start3A_155 = tpu.memref_slice %arg7[%arg0, %mul3A_153] : memref<2x10240xf32, #tpu.memory_space<hbm>> -> memref<1x640xf32, #tpu.memory_space<hbm>>
      %dma_start3A_156 = tpu.memref_squeeze %dma_start3A_155 : memref<1x640xf32, #tpu.memory_space<hbm>> -> memref<640xf32, #tpu.memory_space<hbm>>
      %dma_start3A_157 = tpu.memref_slice %arg14[%mul3A_151] : memref<10240xf32, #tpu.memory_space<vmem_shared>> -> memref<640xf32, #tpu.memory_space<vmem_shared>>
      tpu.enqueue_dma source(%dma_start3A_157 : memref<640xf32, #tpu.memory_space<vmem_shared>>) target(%dma_start3A_156 : memref<640xf32, #tpu.memory_space<hbm>>) target_semaphore(%run_scoped3A_154 : memref<!tpu.dma_semaphore, #tpu.memory_space<semaphore_mem>>)
      %dma_wait3A_158 = tpu.memref_slice %arg7[%arg0, %mul3A_153] : memref<2x10240xf32, #tpu.memory_space<hbm>> -> memref<1x640xf32, #tpu.memory_space<hbm>>
      %dma_wait3A_159 = tpu.memref_squeeze %dma_wait3A_158 : memref<1x640xf32, #tpu.memory_space<hbm>> -> memref<640xf32, #tpu.memory_space<hbm>>
      %dma_wait3A_160 = tpu.memref_slice %arg14[%mul3A_151] : memref<10240xf32, #tpu.memory_space<vmem_shared>> -> memref<640xf32, #tpu.memory_space<vmem_shared>>
      tpu.wait_dma2 semaphore(%run_scoped3A_154 : memref<!tpu.dma_semaphore, #tpu.memory_space<semaphore_mem>>) src(%dma_wait3A_160 : memref<640xf32, #tpu.memory_space<vmem_shared>>) dst(%dma_wait3A_159 : memref<640xf32, #tpu.memory_space<hbm>>)
      tpu.yield
    }) : () -> ()
    return
  }
}

#map = affine_map<(d0, d1) -> (0, 0)>
#map1 = affine_map<(d0, d1) -> (0, 0, 0)>
#map2 = affine_map<(d0, d1) -> (0)>
module attributes {stable_mosaic.version = 14 : i64} {
  func.func @body(%arg0: i32, %arg1: i32, %arg2: memref<10240x128xf32, #tpu.memory_space<hbm>>, %arg3: memref<2560x2x128xi32, #tpu.memory_space<hbm>>, %arg4: memref<640x128xf32, #tpu.memory_space<hbm>>, %arg5: memref<640xf32, #tpu.memory_space<hbm>>, %arg6: memref<2x10240x128xf32, #tpu.memory_space<hbm>>, %arg7: memref<10240x128xf32, #tpu.memory_space<vmem_shared>>, %arg8: memref<40x2x128xi32, #tpu.memory_space<vmem>>, %arg9: memref<128x128xf32, #tpu.memory_space<vmem>>, %arg10: memref<128x128xf32, #tpu.memory_space<vmem>>, %arg11: memref<!tpu.dma_semaphore, #tpu.memory_space<semaphore_mem>>, %arg12: memref<!tpu.dma_semaphore, #tpu.memory_space<semaphore_mem>>) attributes {dimension_semantics = [#tpu.dimension_semantics<core_parallel>, #tpu.dimension_semantics<subcore_parallel>], iteration_bounds = array<i64: 2, 16>, scalar_prefetch = 0 : i64, scratch_operands = 6 : i64, tpu.core_type = #tpu.core_type<sc_vector_subcore>, window_params = [{transform_indices = #map}, {transform_indices = #map1}, {transform_indices = #map}, {transform_indices = #map2}, {transform_indices = #map1}]} {
    %mul3A = arith.constant 16 : i32
    %mul3A_0 = arith.muli %arg0, %mul3A : i32
    %add3A = arith.addi %mul3A_0, %arg1 : i32
    %mul3A_1 = arith.constant 640 : i32
    %mul3A_2 = arith.muli %arg1, %mul3A_1 : i32
    "tpu.region"() ({
      %run_scoped3A_94 = tpu.sem_alloc : memref<!tpu.dma_semaphore, #tpu.memory_space<semaphore_mem>>
      %dma_start3A_95 = arith.constant 0 : i32
      %dma_start3A_96 = tpu.memref_slice %arg7[%mul3A_2, %dma_start3A_95] : memref<10240x128xf32, #tpu.memory_space<vmem_shared>> -> memref<640x128xf32, #tpu.memory_space<vmem_shared>>
      tpu.enqueue_dma source(%arg4 : memref<640x128xf32, #tpu.memory_space<hbm>>) target(%dma_start3A_96 : memref<640x128xf32, #tpu.memory_space<vmem_shared>>) target_semaphore(%run_scoped3A_94 : memref<!tpu.dma_semaphore, #tpu.memory_space<semaphore_mem>>)
      %dma_wait3A_97 = arith.constant 0 : i32
      %dma_wait3A_98 = tpu.memref_slice %arg7[%mul3A_2, %dma_wait3A_97] : memref<10240x128xf32, #tpu.memory_space<vmem_shared>> -> memref<640x128xf32, #tpu.memory_space<vmem_shared>>
      tpu.wait_dma2 semaphore(%run_scoped3A_94 : memref<!tpu.dma_semaphore, #tpu.memory_space<semaphore_mem>>) src(%arg4 : memref<640x128xf32, #tpu.memory_space<hbm>>) dst(%dma_wait3A_98 : memref<640x128xf32, #tpu.memory_space<vmem_shared>>)
      tpu.yield
    }) : () -> ()
    %barrier3A = arith.constant 0 : index
    tpu.barrier barrier_id(%barrier3A)
    %mul3A_3 = arith.constant 80 : i32
    %mul3A_4 = arith.muli %add3A, %mul3A_3 : i32
    %add3A_5 = arith.constant 0 : i32
    %add3A_6 = arith.addi %mul3A_4, %add3A_5 : i32
    "tpu.region"() ({
      %run_scoped3A_94 = tpu.sem_alloc : memref<!tpu.dma_semaphore, #tpu.memory_space<semaphore_mem>>
      %dma_start3A_95 = arith.constant 0 : i32
      %dma_start3A_96 = arith.constant 0 : i32
      %dma_start3A_97 = tpu.memref_slice %arg3[%add3A_6, %dma_start3A_95, %dma_start3A_96] : memref<2560x2x128xi32, #tpu.memory_space<hbm>> -> memref<40x2x128xi32, #tpu.memory_space<hbm>>
      %dma_start3A_98 = arith.constant 0 : i32
      %dma_start3A_99 = arith.constant 0 : i32
      %dma_start3A_100 = tpu.memref_slice %arg3[%add3A_6, %dma_start3A_98, %dma_start3A_99] : memref<2560x2x128xi32, #tpu.memory_space<hbm>> -> memref<40x2x128xi32, #tpu.memory_space<hbm>>
      tpu.enqueue_dma source(%dma_start3A_100 : memref<40x2x128xi32, #tpu.memory_space<hbm>>) target(%arg8 : memref<40x2x128xi32, #tpu.memory_space<vmem>>) target_semaphore(%run_scoped3A_94 : memref<!tpu.dma_semaphore, #tpu.memory_space<semaphore_mem>>)
      %dma_wait3A_101 = arith.constant 0 : i32
      %dma_wait3A_102 = arith.constant 0 : i32
      %dma_wait3A_103 = tpu.memref_slice %arg3[%add3A_6, %dma_wait3A_101, %dma_wait3A_102] : memref<2560x2x128xi32, #tpu.memory_space<hbm>> -> memref<40x2x128xi32, #tpu.memory_space<hbm>>
      %dma_wait3A_104 = arith.constant 0 : i32
      %dma_wait3A_105 = arith.constant 0 : i32
      %dma_wait3A_106 = tpu.memref_slice %arg3[%add3A_6, %dma_wait3A_104, %dma_wait3A_105] : memref<2560x2x128xi32, #tpu.memory_space<hbm>> -> memref<40x2x128xi32, #tpu.memory_space<hbm>>
      tpu.wait_dma2 semaphore(%run_scoped3A_94 : memref<!tpu.dma_semaphore, #tpu.memory_space<semaphore_mem>>) src(%dma_wait3A_106 : memref<40x2x128xi32, #tpu.memory_space<hbm>>) dst(%arg8 : memref<40x2x128xi32, #tpu.memory_space<vmem>>)
      tpu.yield
    }) : () -> ()
    %dma_start3A = arith.constant 0 : i32
    %dma_start3A_7 = arith.constant 0 : i32
    %dma_start3A_8 = arith.constant 0 : i32
    %dma_start3A_9 = tpu.memref_slice %arg8[%dma_start3A, %dma_start3A_7, %dma_start3A_8] : memref<40x2x128xi32, #tpu.memory_space<vmem>> -> memref<1x1x128xi32, #tpu.memory_space<vmem>>
    %dma_start3A_10 = tpu.memref_squeeze %dma_start3A_9 : memref<1x1x128xi32, #tpu.memory_space<vmem>> -> memref<128xi32, #tpu.memory_space<vmem>>
    %dma_start3A_11 = arith.constant 0 : i32
    %dma_start3A_12 = arith.constant 0 : i32
    %dma_start3A_13 = tpu.memref_slice %arg2[%dma_start3A_11, %dma_start3A_12] : memref<10240x128xf32, #tpu.memory_space<hbm>> -> memref<10240x128xf32, #tpu.memory_space<hbm>>
    tpu.enqueue_indirect_dma source(%dma_start3A_13 : memref<10240x128xf32, #tpu.memory_space<hbm>>) target(%arg9 : memref<128x128xf32, #tpu.memory_space<vmem>>) offsets(%dma_start3A_10 : memref<128xi32, #tpu.memory_space<vmem>>) semaphore(%arg11 : memref<!tpu.dma_semaphore, #tpu.memory_space<semaphore_mem>>)
    %dma_start3A_14 = arith.constant 1 : i32
    %dma_start3A_15 = arith.constant 0 : i32
    %dma_start3A_16 = arith.constant 0 : i32
    %dma_start3A_17 = tpu.memref_slice %arg8[%dma_start3A_14, %dma_start3A_15, %dma_start3A_16] : memref<40x2x128xi32, #tpu.memory_space<vmem>> -> memref<1x1x128xi32, #tpu.memory_space<vmem>>
    %dma_start3A_18 = tpu.memref_squeeze %dma_start3A_17 : memref<1x1x128xi32, #tpu.memory_space<vmem>> -> memref<128xi32, #tpu.memory_space<vmem>>
    %dma_start3A_19 = arith.constant 0 : i32
    %dma_start3A_20 = arith.constant 0 : i32
    %dma_start3A_21 = tpu.memref_slice %arg2[%dma_start3A_19, %dma_start3A_20] : memref<10240x128xf32, #tpu.memory_space<hbm>> -> memref<10240x128xf32, #tpu.memory_space<hbm>>
    tpu.enqueue_indirect_dma source(%dma_start3A_21 : memref<10240x128xf32, #tpu.memory_space<hbm>>) target(%arg10 : memref<128x128xf32, #tpu.memory_space<vmem>>) offsets(%dma_start3A_18 : memref<128xi32, #tpu.memory_space<vmem>>) semaphore(%arg12 : memref<!tpu.dma_semaphore, #tpu.memory_space<semaphore_mem>>)
    %scan3A = arith.constant 0 : i32
    %scan3A_22 = arith.constant 0 : i32
    %scan3A_23 = arith.constant 19 : i32
    %scan3A_24 = arith.addi %scan3A_22, %scan3A_23 : i32
    %scan3A_25 = arith.constant 1 : i32
    scf.for %scan3A_94 = %scan3A_22 to %scan3A_24 step %scan3A_25  : i32 {
      %mul3A_95 = arith.constant 2 : i32
      %mul3A_96 = arith.muli %scan3A_94, %mul3A_95 : i32
      %add3A_97 = arith.constant 0 : i32
      %add3A_98 = arith.addi %mul3A_96, %add3A_97 : i32
      %dma_wait3A_99 = arith.constant 0 : i32
      %dma_wait3A_100 = arith.constant 0 : i32
      %dma_wait3A_101 = arith.constant 0 : i32
      %dma_wait3A_102 = tpu.memref_slice %arg8[%dma_wait3A_99, %dma_wait3A_100, %dma_wait3A_101] : memref<40x2x128xi32, #tpu.memory_space<vmem>> -> memref<1x1x128xi32, #tpu.memory_space<vmem>>
      %dma_wait3A_103 = tpu.memref_squeeze %dma_wait3A_102 : memref<1x1x128xi32, #tpu.memory_space<vmem>> -> memref<128xi32, #tpu.memory_space<vmem>>
      %dma_wait3A_104 = arith.constant 0 : i32
      %dma_wait3A_105 = arith.constant 0 : i32
      %dma_wait3A_106 = tpu.memref_slice %arg2[%dma_wait3A_104, %dma_wait3A_105] : memref<10240x128xf32, #tpu.memory_space<hbm>> -> memref<10240x128xf32, #tpu.memory_space<hbm>>
      tpu.wait_indirect_dma semaphore(%arg11 : memref<!tpu.dma_semaphore, #tpu.memory_space<semaphore_mem>>) src(%dma_wait3A_106 : memref<10240x128xf32, #tpu.memory_space<hbm>>) dst(%arg9 : memref<128x128xf32, #tpu.memory_space<vmem>>)
      %run_scoped3A_107 = arith.constant 1 : i32
      "tpu.region"() ({
        %run_scoped3A_139 = tpu.sem_alloc : memref<!tpu.dma_semaphore, #tpu.memory_space<semaphore_mem>>
        %dma_start3A_140 = arith.constant 0 : i32
        %dma_start3A_141 = tpu.memref_slice %arg8[%add3A_98, %run_scoped3A_107, %dma_start3A_140] : memref<40x2x128xi32, #tpu.memory_space<vmem>> -> memref<1x1x128xi32, #tpu.memory_space<vmem>>
        %dma_start3A_142 = tpu.memref_squeeze %dma_start3A_141 : memref<1x1x128xi32, #tpu.memory_space<vmem>> -> memref<128xi32, #tpu.memory_space<vmem>>
        %dma_start3A_143 = arith.constant 0 : i32
        %dma_start3A_144 = arith.constant 0 : i32
        %dma_start3A_145 = tpu.memref_slice %arg7[%dma_start3A_143, %dma_start3A_144] : memref<10240x128xf32, #tpu.memory_space<vmem_shared>> -> memref<10240x128xf32, #tpu.memory_space<vmem_shared>>
        tpu.enqueue_indirect_dma source(%arg9 : memref<128x128xf32, #tpu.memory_space<vmem>>) target(%dma_start3A_145 : memref<10240x128xf32, #tpu.memory_space<vmem_shared>>) offsets(%dma_start3A_142 : memref<128xi32, #tpu.memory_space<vmem>>) semaphore(%run_scoped3A_139 : memref<!tpu.dma_semaphore, #tpu.memory_space<semaphore_mem>>) {add = true}
        %dma_wait3A_146 = arith.constant 0 : i32
        %dma_wait3A_147 = tpu.memref_slice %arg8[%add3A_98, %run_scoped3A_107, %dma_wait3A_146] : memref<40x2x128xi32, #tpu.memory_space<vmem>> -> memref<1x1x128xi32, #tpu.memory_space<vmem>>
        %dma_wait3A_148 = tpu.memref_squeeze %dma_wait3A_147 : memref<1x1x128xi32, #tpu.memory_space<vmem>> -> memref<128xi32, #tpu.memory_space<vmem>>
        %dma_wait3A_149 = arith.constant 0 : i32
        %dma_wait3A_150 = arith.constant 0 : i32
        %dma_wait3A_151 = tpu.memref_slice %arg7[%dma_wait3A_149, %dma_wait3A_150] : memref<10240x128xf32, #tpu.memory_space<vmem_shared>> -> memref<10240x128xf32, #tpu.memory_space<vmem_shared>>
        tpu.wait_indirect_dma semaphore(%run_scoped3A_139 : memref<!tpu.dma_semaphore, #tpu.memory_space<semaphore_mem>>) src(%arg9 : memref<128x128xf32, #tpu.memory_space<vmem>>) dst(%dma_wait3A_151 : memref<10240x128xf32, #tpu.memory_space<vmem_shared>>)
        tpu.yield
      }) : () -> ()
      %add3A_108 = arith.constant 2 : i32
      %add3A_109 = arith.addi %add3A_98, %add3A_108 : i32
      %dma_start3A_110 = arith.constant 0 : i32
      %dma_start3A_111 = arith.constant 0 : i32
      %dma_start3A_112 = tpu.memref_slice %arg8[%add3A_109, %dma_start3A_110, %dma_start3A_111] : memref<40x2x128xi32, #tpu.memory_space<vmem>> -> memref<1x1x128xi32, #tpu.memory_space<vmem>>
      %dma_start3A_113 = tpu.memref_squeeze %dma_start3A_112 : memref<1x1x128xi32, #tpu.memory_space<vmem>> -> memref<128xi32, #tpu.memory_space<vmem>>
      %dma_start3A_114 = arith.constant 0 : i32
      %dma_start3A_115 = arith.constant 0 : i32
      %dma_start3A_116 = tpu.memref_slice %arg2[%dma_start3A_114, %dma_start3A_115] : memref<10240x128xf32, #tpu.memory_space<hbm>> -> memref<10240x128xf32, #tpu.memory_space<hbm>>
      tpu.enqueue_indirect_dma source(%dma_start3A_116 : memref<10240x128xf32, #tpu.memory_space<hbm>>) target(%arg9 : memref<128x128xf32, #tpu.memory_space<vmem>>) offsets(%dma_start3A_113 : memref<128xi32, #tpu.memory_space<vmem>>) semaphore(%arg11 : memref<!tpu.dma_semaphore, #tpu.memory_space<semaphore_mem>>)
      %mul3A_117 = arith.constant 2 : i32
      %mul3A_118 = arith.muli %scan3A_94, %mul3A_117 : i32
      %add3A_119 = arith.constant 1 : i32
      %add3A_120 = arith.addi %mul3A_118, %add3A_119 : i32
      %dma_wait3A_121 = arith.constant 0 : i32
      %dma_wait3A_122 = arith.constant 0 : i32
      %dma_wait3A_123 = arith.constant 0 : i32
      %dma_wait3A_124 = tpu.memref_slice %arg8[%dma_wait3A_121, %dma_wait3A_122, %dma_wait3A_123] : memref<40x2x128xi32, #tpu.memory_space<vmem>> -> memref<1x1x128xi32, #tpu.memory_space<vmem>>
      %dma_wait3A_125 = tpu.memref_squeeze %dma_wait3A_124 : memref<1x1x128xi32, #tpu.memory_space<vmem>> -> memref<128xi32, #tpu.memory_space<vmem>>
      %dma_wait3A_126 = arith.constant 0 : i32
      %dma_wait3A_127 = arith.constant 0 : i32
      %dma_wait3A_128 = tpu.memref_slice %arg2[%dma_wait3A_126, %dma_wait3A_127] : memref<10240x128xf32, #tpu.memory_space<hbm>> -> memref<10240x128xf32, #tpu.memory_space<hbm>>
      tpu.wait_indirect_dma semaphore(%arg12 : memref<!tpu.dma_semaphore, #tpu.memory_space<semaphore_mem>>) src(%dma_wait3A_128 : memref<10240x128xf32, #tpu.memory_space<hbm>>) dst(%arg10 : memref<128x128xf32, #tpu.memory_space<vmem>>)
      %run_scoped3A_129 = arith.constant 1 : i32
      "tpu.region"() ({
        %run_scoped3A_139 = tpu.sem_alloc : memref<!tpu.dma_semaphore, #tpu.memory_space<semaphore_mem>>
        %dma_start3A_140 = arith.constant 0 : i32
        %dma_start3A_141 = tpu.memref_slice %arg8[%add3A_120, %run_scoped3A_129, %dma_start3A_140] : memref<40x2x128xi32, #tpu.memory_space<vmem>> -> memref<1x1x128xi32, #tpu.memory_space<vmem>>
        %dma_start3A_142 = tpu.memref_squeeze %dma_start3A_141 : memref<1x1x128xi32, #tpu.memory_space<vmem>> -> memref<128xi32, #tpu.memory_space<vmem>>
        %dma_start3A_143 = arith.constant 0 : i32
        %dma_start3A_144 = arith.constant 0 : i32
        %dma_start3A_145 = tpu.memref_slice %arg7[%dma_start3A_143, %dma_start3A_144] : memref<10240x128xf32, #tpu.memory_space<vmem_shared>> -> memref<10240x128xf32, #tpu.memory_space<vmem_shared>>
        tpu.enqueue_indirect_dma source(%arg10 : memref<128x128xf32, #tpu.memory_space<vmem>>) target(%dma_start3A_145 : memref<10240x128xf32, #tpu.memory_space<vmem_shared>>) offsets(%dma_start3A_142 : memref<128xi32, #tpu.memory_space<vmem>>) semaphore(%run_scoped3A_139 : memref<!tpu.dma_semaphore, #tpu.memory_space<semaphore_mem>>) {add = true}
        %dma_wait3A_146 = arith.constant 0 : i32
        %dma_wait3A_147 = tpu.memref_slice %arg8[%add3A_120, %run_scoped3A_129, %dma_wait3A_146] : memref<40x2x128xi32, #tpu.memory_space<vmem>> -> memref<1x1x128xi32, #tpu.memory_space<vmem>>
        %dma_wait3A_148 = tpu.memref_squeeze %dma_wait3A_147 : memref<1x1x128xi32, #tpu.memory_space<vmem>> -> memref<128xi32, #tpu.memory_space<vmem>>
        %dma_wait3A_149 = arith.constant 0 : i32
        %dma_wait3A_150 = arith.constant 0 : i32
        %dma_wait3A_151 = tpu.memref_slice %arg7[%dma_wait3A_149, %dma_wait3A_150] : memref<10240x128xf32, #tpu.memory_space<vmem_shared>> -> memref<10240x128xf32, #tpu.memory_space<vmem_shared>>
        tpu.wait_indirect_dma semaphore(%run_scoped3A_139 : memref<!tpu.dma_semaphore, #tpu.memory_space<semaphore_mem>>) src(%arg10 : memref<128x128xf32, #tpu.memory_space<vmem>>) dst(%dma_wait3A_151 : memref<10240x128xf32, #tpu.memory_space<vmem_shared>>)
        tpu.yield
      }) : () -> ()
      %add3A_130 = arith.constant 2 : i32
      %add3A_131 = arith.addi %add3A_120, %add3A_130 : i32
      %dma_start3A_132 = arith.constant 0 : i32
      %dma_start3A_133 = arith.constant 0 : i32
      %dma_start3A_134 = tpu.memref_slice %arg8[%add3A_131, %dma_start3A_132, %dma_start3A_133] : memref<40x2x128xi32, #tpu.memory_space<vmem>> -> memref<1x1x128xi32, #tpu.memory_space<vmem>>
      %dma_start3A_135 = tpu.memref_squeeze %dma_start3A_134 : memref<1x1x128xi32, #tpu.memory_space<vmem>> -> memref<128xi32, #tpu.memory_space<vmem>>
      %dma_start3A_136 = arith.constant 0 : i32
      %dma_start3A_137 = arith.constant 0 : i32
      %dma_start3A_138 = tpu.memref_slice %arg2[%dma_start3A_136, %dma_start3A_137] : memref<10240x128xf32, #tpu.memory_space<hbm>> -> memref<10240x128xf32, #tpu.memory_space<hbm>>
      tpu.enqueue_indirect_dma source(%dma_start3A_138 : memref<10240x128xf32, #tpu.memory_space<hbm>>) target(%arg10 : memref<128x128xf32, #tpu.memory_space<vmem>>) offsets(%dma_start3A_135 : memref<128xi32, #tpu.memory_space<vmem>>) semaphore(%arg12 : memref<!tpu.dma_semaphore, #tpu.memory_space<semaphore_mem>>)
    }
    %scan3A_26 = arith.constant 19 : i32
    %dma_wait3A = arith.constant 0 : i32
    %dma_wait3A_27 = arith.constant 0 : i32
    %dma_wait3A_28 = arith.constant 0 : i32
    %dma_wait3A_29 = tpu.memref_slice %arg8[%dma_wait3A, %dma_wait3A_27, %dma_wait3A_28] : memref<40x2x128xi32, #tpu.memory_space<vmem>> -> memref<1x1x128xi32, #tpu.memory_space<vmem>>
    %dma_wait3A_30 = tpu.memref_squeeze %dma_wait3A_29 : memref<1x1x128xi32, #tpu.memory_space<vmem>> -> memref<128xi32, #tpu.memory_space<vmem>>
    %dma_wait3A_31 = arith.constant 0 : i32
    %dma_wait3A_32 = arith.constant 0 : i32
    %dma_wait3A_33 = tpu.memref_slice %arg2[%dma_wait3A_31, %dma_wait3A_32] : memref<10240x128xf32, #tpu.memory_space<hbm>> -> memref<10240x128xf32, #tpu.memory_space<hbm>>
    tpu.wait_indirect_dma semaphore(%arg11 : memref<!tpu.dma_semaphore, #tpu.memory_space<semaphore_mem>>) src(%dma_wait3A_33 : memref<10240x128xf32, #tpu.memory_space<hbm>>) dst(%arg9 : memref<128x128xf32, #tpu.memory_space<vmem>>)
    %run_scoped3A = arith.constant 38 : i32
    %run_scoped3A_34 = arith.constant 1 : i32
    "tpu.region"() ({
      %run_scoped3A_94 = tpu.sem_alloc : memref<!tpu.dma_semaphore, #tpu.memory_space<semaphore_mem>>
      %dma_start3A_95 = arith.constant 0 : i32
      %dma_start3A_96 = tpu.memref_slice %arg8[%run_scoped3A, %run_scoped3A_34, %dma_start3A_95] : memref<40x2x128xi32, #tpu.memory_space<vmem>> -> memref<1x1x128xi32, #tpu.memory_space<vmem>>
      %dma_start3A_97 = tpu.memref_squeeze %dma_start3A_96 : memref<1x1x128xi32, #tpu.memory_space<vmem>> -> memref<128xi32, #tpu.memory_space<vmem>>
      %dma_start3A_98 = arith.constant 0 : i32
      %dma_start3A_99 = arith.constant 0 : i32
      %dma_start3A_100 = tpu.memref_slice %arg7[%dma_start3A_98, %dma_start3A_99] : memref<10240x128xf32, #tpu.memory_space<vmem_shared>> -> memref<10240x128xf32, #tpu.memory_space<vmem_shared>>
      tpu.enqueue_indirect_dma source(%arg9 : memref<128x128xf32, #tpu.memory_space<vmem>>) target(%dma_start3A_100 : memref<10240x128xf32, #tpu.memory_space<vmem_shared>>) offsets(%dma_start3A_97 : memref<128xi32, #tpu.memory_space<vmem>>) semaphore(%run_scoped3A_94 : memref<!tpu.dma_semaphore, #tpu.memory_space<semaphore_mem>>) {add = true}
      %dma_wait3A_101 = arith.constant 0 : i32
      %dma_wait3A_102 = tpu.memref_slice %arg8[%run_scoped3A, %run_scoped3A_34, %dma_wait3A_101] : memref<40x2x128xi32, #tpu.memory_space<vmem>> -> memref<1x1x128xi32, #tpu.memory_space<vmem>>
      %dma_wait3A_103 = tpu.memref_squeeze %dma_wait3A_102 : memref<1x1x128xi32, #tpu.memory_space<vmem>> -> memref<128xi32, #tpu.memory_space<vmem>>
      %dma_wait3A_104 = arith.constant 0 : i32
      %dma_wait3A_105 = arith.constant 0 : i32
      %dma_wait3A_106 = tpu.memref_slice %arg7[%dma_wait3A_104, %dma_wait3A_105] : memref<10240x128xf32, #tpu.memory_space<vmem_shared>> -> memref<10240x128xf32, #tpu.memory_space<vmem_shared>>
      tpu.wait_indirect_dma semaphore(%run_scoped3A_94 : memref<!tpu.dma_semaphore, #tpu.memory_space<semaphore_mem>>) src(%arg9 : memref<128x128xf32, #tpu.memory_space<vmem>>) dst(%dma_wait3A_106 : memref<10240x128xf32, #tpu.memory_space<vmem_shared>>)
      tpu.yield
    }) : () -> ()
    %dma_wait3A_35 = arith.constant 0 : i32
    %dma_wait3A_36 = arith.constant 0 : i32
    %dma_wait3A_37 = arith.constant 0 : i32
    %dma_wait3A_38 = tpu.memref_slice %arg8[%dma_wait3A_35, %dma_wait3A_36, %dma_wait3A_37] : memref<40x2x128xi32, #tpu.memory_space<vmem>> -> memref<1x1x128xi32, #tpu.memory_space<vmem>>
    %dma_wait3A_39 = tpu.memref_squeeze %dma_wait3A_38 : memref<1x1x128xi32, #tpu.memory_space<vmem>> -> memref<128xi32, #tpu.memory_space<vmem>>
    %dma_wait3A_40 = arith.constant 0 : i32
    %dma_wait3A_41 = arith.constant 0 : i32
    %dma_wait3A_42 = tpu.memref_slice %arg2[%dma_wait3A_40, %dma_wait3A_41] : memref<10240x128xf32, #tpu.memory_space<hbm>> -> memref<10240x128xf32, #tpu.memory_space<hbm>>
    tpu.wait_indirect_dma semaphore(%arg12 : memref<!tpu.dma_semaphore, #tpu.memory_space<semaphore_mem>>) src(%dma_wait3A_42 : memref<10240x128xf32, #tpu.memory_space<hbm>>) dst(%arg10 : memref<128x128xf32, #tpu.memory_space<vmem>>)
    %run_scoped3A_43 = arith.constant 39 : i32
    %run_scoped3A_44 = arith.constant 1 : i32
    "tpu.region"() ({
      %run_scoped3A_94 = tpu.sem_alloc : memref<!tpu.dma_semaphore, #tpu.memory_space<semaphore_mem>>
      %dma_start3A_95 = arith.constant 0 : i32
      %dma_start3A_96 = tpu.memref_slice %arg8[%run_scoped3A_43, %run_scoped3A_44, %dma_start3A_95] : memref<40x2x128xi32, #tpu.memory_space<vmem>> -> memref<1x1x128xi32, #tpu.memory_space<vmem>>
      %dma_start3A_97 = tpu.memref_squeeze %dma_start3A_96 : memref<1x1x128xi32, #tpu.memory_space<vmem>> -> memref<128xi32, #tpu.memory_space<vmem>>
      %dma_start3A_98 = arith.constant 0 : i32
      %dma_start3A_99 = arith.constant 0 : i32
      %dma_start3A_100 = tpu.memref_slice %arg7[%dma_start3A_98, %dma_start3A_99] : memref<10240x128xf32, #tpu.memory_space<vmem_shared>> -> memref<10240x128xf32, #tpu.memory_space<vmem_shared>>
      tpu.enqueue_indirect_dma source(%arg10 : memref<128x128xf32, #tpu.memory_space<vmem>>) target(%dma_start3A_100 : memref<10240x128xf32, #tpu.memory_space<vmem_shared>>) offsets(%dma_start3A_97 : memref<128xi32, #tpu.memory_space<vmem>>) semaphore(%run_scoped3A_94 : memref<!tpu.dma_semaphore, #tpu.memory_space<semaphore_mem>>) {add = true}
      %dma_wait3A_101 = arith.constant 0 : i32
      %dma_wait3A_102 = tpu.memref_slice %arg8[%run_scoped3A_43, %run_scoped3A_44, %dma_wait3A_101] : memref<40x2x128xi32, #tpu.memory_space<vmem>> -> memref<1x1x128xi32, #tpu.memory_space<vmem>>
      %dma_wait3A_103 = tpu.memref_squeeze %dma_wait3A_102 : memref<1x1x128xi32, #tpu.memory_space<vmem>> -> memref<128xi32, #tpu.memory_space<vmem>>
      %dma_wait3A_104 = arith.constant 0 : i32
      %dma_wait3A_105 = arith.constant 0 : i32
      %dma_wait3A_106 = tpu.memref_slice %arg7[%dma_wait3A_104, %dma_wait3A_105] : memref<10240x128xf32, #tpu.memory_space<vmem_shared>> -> memref<10240x128xf32, #tpu.memory_space<vmem_shared>>
      tpu.wait_indirect_dma semaphore(%run_scoped3A_94 : memref<!tpu.dma_semaphore, #tpu.memory_space<semaphore_mem>>) src(%arg10 : memref<128x128xf32, #tpu.memory_space<vmem>>) dst(%dma_wait3A_106 : memref<10240x128xf32, #tpu.memory_space<vmem_shared>>)
      tpu.yield
    }) : () -> ()
    %add3A_45 = arith.constant 40 : i32
    %add3A_46 = arith.addi %mul3A_4, %add3A_45 : i32
    "tpu.region"() ({
      %run_scoped3A_94 = tpu.sem_alloc : memref<!tpu.dma_semaphore, #tpu.memory_space<semaphore_mem>>
      %dma_start3A_95 = arith.constant 0 : i32
      %dma_start3A_96 = arith.constant 0 : i32
      %dma_start3A_97 = tpu.memref_slice %arg3[%add3A_46, %dma_start3A_95, %dma_start3A_96] : memref<2560x2x128xi32, #tpu.memory_space<hbm>> -> memref<40x2x128xi32, #tpu.memory_space<hbm>>
      %dma_start3A_98 = arith.constant 0 : i32
      %dma_start3A_99 = arith.constant 0 : i32
      %dma_start3A_100 = tpu.memref_slice %arg3[%add3A_46, %dma_start3A_98, %dma_start3A_99] : memref<2560x2x128xi32, #tpu.memory_space<hbm>> -> memref<40x2x128xi32, #tpu.memory_space<hbm>>
      tpu.enqueue_dma source(%dma_start3A_100 : memref<40x2x128xi32, #tpu.memory_space<hbm>>) target(%arg8 : memref<40x2x128xi32, #tpu.memory_space<vmem>>) target_semaphore(%run_scoped3A_94 : memref<!tpu.dma_semaphore, #tpu.memory_space<semaphore_mem>>)
      %dma_wait3A_101 = arith.constant 0 : i32
      %dma_wait3A_102 = arith.constant 0 : i32
      %dma_wait3A_103 = tpu.memref_slice %arg3[%add3A_46, %dma_wait3A_101, %dma_wait3A_102] : memref<2560x2x128xi32, #tpu.memory_space<hbm>> -> memref<40x2x128xi32, #tpu.memory_space<hbm>>
      %dma_wait3A_104 = arith.constant 0 : i32
      %dma_wait3A_105 = arith.constant 0 : i32
      %dma_wait3A_106 = tpu.memref_slice %arg3[%add3A_46, %dma_wait3A_104, %dma_wait3A_105] : memref<2560x2x128xi32, #tpu.memory_space<hbm>> -> memref<40x2x128xi32, #tpu.memory_space<hbm>>
      tpu.wait_dma2 semaphore(%run_scoped3A_94 : memref<!tpu.dma_semaphore, #tpu.memory_space<semaphore_mem>>) src(%dma_wait3A_106 : memref<40x2x128xi32, #tpu.memory_space<hbm>>) dst(%arg8 : memref<40x2x128xi32, #tpu.memory_space<vmem>>)
      tpu.yield
    }) : () -> ()
    %dma_start3A_47 = arith.constant 0 : i32
    %dma_start3A_48 = arith.constant 0 : i32
    %dma_start3A_49 = arith.constant 0 : i32
    %dma_start3A_50 = tpu.memref_slice %arg8[%dma_start3A_47, %dma_start3A_48, %dma_start3A_49] : memref<40x2x128xi32, #tpu.memory_space<vmem>> -> memref<1x1x128xi32, #tpu.memory_space<vmem>>
    %dma_start3A_51 = tpu.memref_squeeze %dma_start3A_50 : memref<1x1x128xi32, #tpu.memory_space<vmem>> -> memref<128xi32, #tpu.memory_space<vmem>>
    %dma_start3A_52 = arith.constant 0 : i32
    %dma_start3A_53 = arith.constant 0 : i32
    %dma_start3A_54 = tpu.memref_slice %arg2[%dma_start3A_52, %dma_start3A_53] : memref<10240x128xf32, #tpu.memory_space<hbm>> -> memref<10240x128xf32, #tpu.memory_space<hbm>>
    tpu.enqueue_indirect_dma source(%dma_start3A_54 : memref<10240x128xf32, #tpu.memory_space<hbm>>) target(%arg9 : memref<128x128xf32, #tpu.memory_space<vmem>>) offsets(%dma_start3A_51 : memref<128xi32, #tpu.memory_space<vmem>>) semaphore(%arg11 : memref<!tpu.dma_semaphore, #tpu.memory_space<semaphore_mem>>)
    %dma_start3A_55 = arith.constant 1 : i32
    %dma_start3A_56 = arith.constant 0 : i32
    %dma_start3A_57 = arith.constant 0 : i32
    %dma_start3A_58 = tpu.memref_slice %arg8[%dma_start3A_55, %dma_start3A_56, %dma_start3A_57] : memref<40x2x128xi32, #tpu.memory_space<vmem>> -> memref<1x1x128xi32, #tpu.memory_space<vmem>>
    %dma_start3A_59 = tpu.memref_squeeze %dma_start3A_58 : memref<1x1x128xi32, #tpu.memory_space<vmem>> -> memref<128xi32, #tpu.memory_space<vmem>>
    %dma_start3A_60 = arith.constant 0 : i32
    %dma_start3A_61 = arith.constant 0 : i32
    %dma_start3A_62 = tpu.memref_slice %arg2[%dma_start3A_60, %dma_start3A_61] : memref<10240x128xf32, #tpu.memory_space<hbm>> -> memref<10240x128xf32, #tpu.memory_space<hbm>>
    tpu.enqueue_indirect_dma source(%dma_start3A_62 : memref<10240x128xf32, #tpu.memory_space<hbm>>) target(%arg10 : memref<128x128xf32, #tpu.memory_space<vmem>>) offsets(%dma_start3A_59 : memref<128xi32, #tpu.memory_space<vmem>>) semaphore(%arg12 : memref<!tpu.dma_semaphore, #tpu.memory_space<semaphore_mem>>)
    %scan3A_63 = arith.constant 0 : i32
    %scan3A_64 = arith.constant 0 : i32
    %scan3A_65 = arith.constant 19 : i32
    %scan3A_66 = arith.addi %scan3A_64, %scan3A_65 : i32
    %scan3A_67 = arith.constant 1 : i32
    scf.for %scan3A_94 = %scan3A_64 to %scan3A_66 step %scan3A_67  : i32 {
      %mul3A_95 = arith.constant 2 : i32
      %mul3A_96 = arith.muli %scan3A_94, %mul3A_95 : i32
      %add3A_97 = arith.constant 0 : i32
      %add3A_98 = arith.addi %mul3A_96, %add3A_97 : i32
      %dma_wait3A_99 = arith.constant 0 : i32
      %dma_wait3A_100 = arith.constant 0 : i32
      %dma_wait3A_101 = arith.constant 0 : i32
      %dma_wait3A_102 = tpu.memref_slice %arg8[%dma_wait3A_99, %dma_wait3A_100, %dma_wait3A_101] : memref<40x2x128xi32, #tpu.memory_space<vmem>> -> memref<1x1x128xi32, #tpu.memory_space<vmem>>
      %dma_wait3A_103 = tpu.memref_squeeze %dma_wait3A_102 : memref<1x1x128xi32, #tpu.memory_space<vmem>> -> memref<128xi32, #tpu.memory_space<vmem>>
      %dma_wait3A_104 = arith.constant 0 : i32
      %dma_wait3A_105 = arith.constant 0 : i32
      %dma_wait3A_106 = tpu.memref_slice %arg2[%dma_wait3A_104, %dma_wait3A_105] : memref<10240x128xf32, #tpu.memory_space<hbm>> -> memref<10240x128xf32, #tpu.memory_space<hbm>>
      tpu.wait_indirect_dma semaphore(%arg11 : memref<!tpu.dma_semaphore, #tpu.memory_space<semaphore_mem>>) src(%dma_wait3A_106 : memref<10240x128xf32, #tpu.memory_space<hbm>>) dst(%arg9 : memref<128x128xf32, #tpu.memory_space<vmem>>)
      %run_scoped3A_107 = arith.constant 1 : i32
      "tpu.region"() ({
        %run_scoped3A_139 = tpu.sem_alloc : memref<!tpu.dma_semaphore, #tpu.memory_space<semaphore_mem>>
        %dma_start3A_140 = arith.constant 0 : i32
        %dma_start3A_141 = tpu.memref_slice %arg8[%add3A_98, %run_scoped3A_107, %dma_start3A_140] : memref<40x2x128xi32, #tpu.memory_space<vmem>> -> memref<1x1x128xi32, #tpu.memory_space<vmem>>
        %dma_start3A_142 = tpu.memref_squeeze %dma_start3A_141 : memref<1x1x128xi32, #tpu.memory_space<vmem>> -> memref<128xi32, #tpu.memory_space<vmem>>
        %dma_start3A_143 = arith.constant 0 : i32
        %dma_start3A_144 = arith.constant 0 : i32
        %dma_start3A_145 = tpu.memref_slice %arg7[%dma_start3A_143, %dma_start3A_144] : memref<10240x128xf32, #tpu.memory_space<vmem_shared>> -> memref<10240x128xf32, #tpu.memory_space<vmem_shared>>
        tpu.enqueue_indirect_dma source(%arg9 : memref<128x128xf32, #tpu.memory_space<vmem>>) target(%dma_start3A_145 : memref<10240x128xf32, #tpu.memory_space<vmem_shared>>) offsets(%dma_start3A_142 : memref<128xi32, #tpu.memory_space<vmem>>) semaphore(%run_scoped3A_139 : memref<!tpu.dma_semaphore, #tpu.memory_space<semaphore_mem>>) {add = true}
        %dma_wait3A_146 = arith.constant 0 : i32
        %dma_wait3A_147 = tpu.memref_slice %arg8[%add3A_98, %run_scoped3A_107, %dma_wait3A_146] : memref<40x2x128xi32, #tpu.memory_space<vmem>> -> memref<1x1x128xi32, #tpu.memory_space<vmem>>
        %dma_wait3A_148 = tpu.memref_squeeze %dma_wait3A_147 : memref<1x1x128xi32, #tpu.memory_space<vmem>> -> memref<128xi32, #tpu.memory_space<vmem>>
        %dma_wait3A_149 = arith.constant 0 : i32
        %dma_wait3A_150 = arith.constant 0 : i32
        %dma_wait3A_151 = tpu.memref_slice %arg7[%dma_wait3A_149, %dma_wait3A_150] : memref<10240x128xf32, #tpu.memory_space<vmem_shared>> -> memref<10240x128xf32, #tpu.memory_space<vmem_shared>>
        tpu.wait_indirect_dma semaphore(%run_scoped3A_139 : memref<!tpu.dma_semaphore, #tpu.memory_space<semaphore_mem>>) src(%arg9 : memref<128x128xf32, #tpu.memory_space<vmem>>) dst(%dma_wait3A_151 : memref<10240x128xf32, #tpu.memory_space<vmem_shared>>)
        tpu.yield
      }) : () -> ()
      %add3A_108 = arith.constant 2 : i32
      %add3A_109 = arith.addi %add3A_98, %add3A_108 : i32
      %dma_start3A_110 = arith.constant 0 : i32
      %dma_start3A_111 = arith.constant 0 : i32
      %dma_start3A_112 = tpu.memref_slice %arg8[%add3A_109, %dma_start3A_110, %dma_start3A_111] : memref<40x2x128xi32, #tpu.memory_space<vmem>> -> memref<1x1x128xi32, #tpu.memory_space<vmem>>
      %dma_start3A_113 = tpu.memref_squeeze %dma_start3A_112 : memref<1x1x128xi32, #tpu.memory_space<vmem>> -> memref<128xi32, #tpu.memory_space<vmem>>
      %dma_start3A_114 = arith.constant 0 : i32
      %dma_start3A_115 = arith.constant 0 : i32
      %dma_start3A_116 = tpu.memref_slice %arg2[%dma_start3A_114, %dma_start3A_115] : memref<10240x128xf32, #tpu.memory_space<hbm>> -> memref<10240x128xf32, #tpu.memory_space<hbm>>
      tpu.enqueue_indirect_dma source(%dma_start3A_116 : memref<10240x128xf32, #tpu.memory_space<hbm>>) target(%arg9 : memref<128x128xf32, #tpu.memory_space<vmem>>) offsets(%dma_start3A_113 : memref<128xi32, #tpu.memory_space<vmem>>) semaphore(%arg11 : memref<!tpu.dma_semaphore, #tpu.memory_space<semaphore_mem>>)
      %mul3A_117 = arith.constant 2 : i32
      %mul3A_118 = arith.muli %scan3A_94, %mul3A_117 : i32
      %add3A_119 = arith.constant 1 : i32
      %add3A_120 = arith.addi %mul3A_118, %add3A_119 : i32
      %dma_wait3A_121 = arith.constant 0 : i32
      %dma_wait3A_122 = arith.constant 0 : i32
      %dma_wait3A_123 = arith.constant 0 : i32
      %dma_wait3A_124 = tpu.memref_slice %arg8[%dma_wait3A_121, %dma_wait3A_122, %dma_wait3A_123] : memref<40x2x128xi32, #tpu.memory_space<vmem>> -> memref<1x1x128xi32, #tpu.memory_space<vmem>>
      %dma_wait3A_125 = tpu.memref_squeeze %dma_wait3A_124 : memref<1x1x128xi32, #tpu.memory_space<vmem>> -> memref<128xi32, #tpu.memory_space<vmem>>
      %dma_wait3A_126 = arith.constant 0 : i32
      %dma_wait3A_127 = arith.constant 0 : i32
      %dma_wait3A_128 = tpu.memref_slice %arg2[%dma_wait3A_126, %dma_wait3A_127] : memref<10240x128xf32, #tpu.memory_space<hbm>> -> memref<10240x128xf32, #tpu.memory_space<hbm>>
      tpu.wait_indirect_dma semaphore(%arg12 : memref<!tpu.dma_semaphore, #tpu.memory_space<semaphore_mem>>) src(%dma_wait3A_128 : memref<10240x128xf32, #tpu.memory_space<hbm>>) dst(%arg10 : memref<128x128xf32, #tpu.memory_space<vmem>>)
      %run_scoped3A_129 = arith.constant 1 : i32
      "tpu.region"() ({
        %run_scoped3A_139 = tpu.sem_alloc : memref<!tpu.dma_semaphore, #tpu.memory_space<semaphore_mem>>
        %dma_start3A_140 = arith.constant 0 : i32
        %dma_start3A_141 = tpu.memref_slice %arg8[%add3A_120, %run_scoped3A_129, %dma_start3A_140] : memref<40x2x128xi32, #tpu.memory_space<vmem>> -> memref<1x1x128xi32, #tpu.memory_space<vmem>>
        %dma_start3A_142 = tpu.memref_squeeze %dma_start3A_141 : memref<1x1x128xi32, #tpu.memory_space<vmem>> -> memref<128xi32, #tpu.memory_space<vmem>>
        %dma_start3A_143 = arith.constant 0 : i32
        %dma_start3A_144 = arith.constant 0 : i32
        %dma_start3A_145 = tpu.memref_slice %arg7[%dma_start3A_143, %dma_start3A_144] : memref<10240x128xf32, #tpu.memory_space<vmem_shared>> -> memref<10240x128xf32, #tpu.memory_space<vmem_shared>>
        tpu.enqueue_indirect_dma source(%arg10 : memref<128x128xf32, #tpu.memory_space<vmem>>) target(%dma_start3A_145 : memref<10240x128xf32, #tpu.memory_space<vmem_shared>>) offsets(%dma_start3A_142 : memref<128xi32, #tpu.memory_space<vmem>>) semaphore(%run_scoped3A_139 : memref<!tpu.dma_semaphore, #tpu.memory_space<semaphore_mem>>) {add = true}
        %dma_wait3A_146 = arith.constant 0 : i32
        %dma_wait3A_147 = tpu.memref_slice %arg8[%add3A_120, %run_scoped3A_129, %dma_wait3A_146] : memref<40x2x128xi32, #tpu.memory_space<vmem>> -> memref<1x1x128xi32, #tpu.memory_space<vmem>>
        %dma_wait3A_148 = tpu.memref_squeeze %dma_wait3A_147 : memref<1x1x128xi32, #tpu.memory_space<vmem>> -> memref<128xi32, #tpu.memory_space<vmem>>
        %dma_wait3A_149 = arith.constant 0 : i32
        %dma_wait3A_150 = arith.constant 0 : i32
        %dma_wait3A_151 = tpu.memref_slice %arg7[%dma_wait3A_149, %dma_wait3A_150] : memref<10240x128xf32, #tpu.memory_space<vmem_shared>> -> memref<10240x128xf32, #tpu.memory_space<vmem_shared>>
        tpu.wait_indirect_dma semaphore(%run_scoped3A_139 : memref<!tpu.dma_semaphore, #tpu.memory_space<semaphore_mem>>) src(%arg10 : memref<128x128xf32, #tpu.memory_space<vmem>>) dst(%dma_wait3A_151 : memref<10240x128xf32, #tpu.memory_space<vmem_shared>>)
        tpu.yield
      }) : () -> ()
      %add3A_130 = arith.constant 2 : i32
      %add3A_131 = arith.addi %add3A_120, %add3A_130 : i32
      %dma_start3A_132 = arith.constant 0 : i32
      %dma_start3A_133 = arith.constant 0 : i32
      %dma_start3A_134 = tpu.memref_slice %arg8[%add3A_131, %dma_start3A_132, %dma_start3A_133] : memref<40x2x128xi32, #tpu.memory_space<vmem>> -> memref<1x1x128xi32, #tpu.memory_space<vmem>>
      %dma_start3A_135 = tpu.memref_squeeze %dma_start3A_134 : memref<1x1x128xi32, #tpu.memory_space<vmem>> -> memref<128xi32, #tpu.memory_space<vmem>>
      %dma_start3A_136 = arith.constant 0 : i32
      %dma_start3A_137 = arith.constant 0 : i32
      %dma_start3A_138 = tpu.memref_slice %arg2[%dma_start3A_136, %dma_start3A_137] : memref<10240x128xf32, #tpu.memory_space<hbm>> -> memref<10240x128xf32, #tpu.memory_space<hbm>>
      tpu.enqueue_indirect_dma source(%dma_start3A_138 : memref<10240x128xf32, #tpu.memory_space<hbm>>) target(%arg10 : memref<128x128xf32, #tpu.memory_space<vmem>>) offsets(%dma_start3A_135 : memref<128xi32, #tpu.memory_space<vmem>>) semaphore(%arg12 : memref<!tpu.dma_semaphore, #tpu.memory_space<semaphore_mem>>)
    }
    %scan3A_68 = arith.constant 19 : i32
    %dma_wait3A_69 = arith.constant 0 : i32
    %dma_wait3A_70 = arith.constant 0 : i32
    %dma_wait3A_71 = arith.constant 0 : i32
    %dma_wait3A_72 = tpu.memref_slice %arg8[%dma_wait3A_69, %dma_wait3A_70, %dma_wait3A_71] : memref<40x2x128xi32, #tpu.memory_space<vmem>> -> memref<1x1x128xi32, #tpu.memory_space<vmem>>
    %dma_wait3A_73 = tpu.memref_squeeze %dma_wait3A_72 : memref<1x1x128xi32, #tpu.memory_space<vmem>> -> memref<128xi32, #tpu.memory_space<vmem>>
    %dma_wait3A_74 = arith.constant 0 : i32
    %dma_wait3A_75 = arith.constant 0 : i32
    %dma_wait3A_76 = tpu.memref_slice %arg2[%dma_wait3A_74, %dma_wait3A_75] : memref<10240x128xf32, #tpu.memory_space<hbm>> -> memref<10240x128xf32, #tpu.memory_space<hbm>>
    tpu.wait_indirect_dma semaphore(%arg11 : memref<!tpu.dma_semaphore, #tpu.memory_space<semaphore_mem>>) src(%dma_wait3A_76 : memref<10240x128xf32, #tpu.memory_space<hbm>>) dst(%arg9 : memref<128x128xf32, #tpu.memory_space<vmem>>)
    %run_scoped3A_77 = arith.constant 38 : i32
    %run_scoped3A_78 = arith.constant 1 : i32
    "tpu.region"() ({
      %run_scoped3A_94 = tpu.sem_alloc : memref<!tpu.dma_semaphore, #tpu.memory_space<semaphore_mem>>
      %dma_start3A_95 = arith.constant 0 : i32
      %dma_start3A_96 = tpu.memref_slice %arg8[%run_scoped3A_77, %run_scoped3A_78, %dma_start3A_95] : memref<40x2x128xi32, #tpu.memory_space<vmem>> -> memref<1x1x128xi32, #tpu.memory_space<vmem>>
      %dma_start3A_97 = tpu.memref_squeeze %dma_start3A_96 : memref<1x1x128xi32, #tpu.memory_space<vmem>> -> memref<128xi32, #tpu.memory_space<vmem>>
      %dma_start3A_98 = arith.constant 0 : i32
      %dma_start3A_99 = arith.constant 0 : i32
      %dma_start3A_100 = tpu.memref_slice %arg7[%dma_start3A_98, %dma_start3A_99] : memref<10240x128xf32, #tpu.memory_space<vmem_shared>> -> memref<10240x128xf32, #tpu.memory_space<vmem_shared>>
      tpu.enqueue_indirect_dma source(%arg9 : memref<128x128xf32, #tpu.memory_space<vmem>>) target(%dma_start3A_100 : memref<10240x128xf32, #tpu.memory_space<vmem_shared>>) offsets(%dma_start3A_97 : memref<128xi32, #tpu.memory_space<vmem>>) semaphore(%run_scoped3A_94 : memref<!tpu.dma_semaphore, #tpu.memory_space<semaphore_mem>>) {add = true}
      %dma_wait3A_101 = arith.constant 0 : i32
      %dma_wait3A_102 = tpu.memref_slice %arg8[%run_scoped3A_77, %run_scoped3A_78, %dma_wait3A_101] : memref<40x2x128xi32, #tpu.memory_space<vmem>> -> memref<1x1x128xi32, #tpu.memory_space<vmem>>
      %dma_wait3A_103 = tpu.memref_squeeze %dma_wait3A_102 : memref<1x1x128xi32, #tpu.memory_space<vmem>> -> memref<128xi32, #tpu.memory_space<vmem>>
      %dma_wait3A_104 = arith.constant 0 : i32
      %dma_wait3A_105 = arith.constant 0 : i32
      %dma_wait3A_106 = tpu.memref_slice %arg7[%dma_wait3A_104, %dma_wait3A_105] : memref<10240x128xf32, #tpu.memory_space<vmem_shared>> -> memref<10240x128xf32, #tpu.memory_space<vmem_shared>>
      tpu.wait_indirect_dma semaphore(%run_scoped3A_94 : memref<!tpu.dma_semaphore, #tpu.memory_space<semaphore_mem>>) src(%arg9 : memref<128x128xf32, #tpu.memory_space<vmem>>) dst(%dma_wait3A_106 : memref<10240x128xf32, #tpu.memory_space<vmem_shared>>)
      tpu.yield
    }) : () -> ()
    %dma_wait3A_79 = arith.constant 0 : i32
    %dma_wait3A_80 = arith.constant 0 : i32
    %dma_wait3A_81 = arith.constant 0 : i32
    %dma_wait3A_82 = tpu.memref_slice %arg8[%dma_wait3A_79, %dma_wait3A_80, %dma_wait3A_81] : memref<40x2x128xi32, #tpu.memory_space<vmem>> -> memref<1x1x128xi32, #tpu.memory_space<vmem>>
    %dma_wait3A_83 = tpu.memref_squeeze %dma_wait3A_82 : memref<1x1x128xi32, #tpu.memory_space<vmem>> -> memref<128xi32, #tpu.memory_space<vmem>>
    %dma_wait3A_84 = arith.constant 0 : i32
    %dma_wait3A_85 = arith.constant 0 : i32
    %dma_wait3A_86 = tpu.memref_slice %arg2[%dma_wait3A_84, %dma_wait3A_85] : memref<10240x128xf32, #tpu.memory_space<hbm>> -> memref<10240x128xf32, #tpu.memory_space<hbm>>
    tpu.wait_indirect_dma semaphore(%arg12 : memref<!tpu.dma_semaphore, #tpu.memory_space<semaphore_mem>>) src(%dma_wait3A_86 : memref<10240x128xf32, #tpu.memory_space<hbm>>) dst(%arg10 : memref<128x128xf32, #tpu.memory_space<vmem>>)
    %run_scoped3A_87 = arith.constant 39 : i32
    %run_scoped3A_88 = arith.constant 1 : i32
    "tpu.region"() ({
      %run_scoped3A_94 = tpu.sem_alloc : memref<!tpu.dma_semaphore, #tpu.memory_space<semaphore_mem>>
      %dma_start3A_95 = arith.constant 0 : i32
      %dma_start3A_96 = tpu.memref_slice %arg8[%run_scoped3A_87, %run_scoped3A_88, %dma_start3A_95] : memref<40x2x128xi32, #tpu.memory_space<vmem>> -> memref<1x1x128xi32, #tpu.memory_space<vmem>>
      %dma_start3A_97 = tpu.memref_squeeze %dma_start3A_96 : memref<1x1x128xi32, #tpu.memory_space<vmem>> -> memref<128xi32, #tpu.memory_space<vmem>>
      %dma_start3A_98 = arith.constant 0 : i32
      %dma_start3A_99 = arith.constant 0 : i32
      %dma_start3A_100 = tpu.memref_slice %arg7[%dma_start3A_98, %dma_start3A_99] : memref<10240x128xf32, #tpu.memory_space<vmem_shared>> -> memref<10240x128xf32, #tpu.memory_space<vmem_shared>>
      tpu.enqueue_indirect_dma source(%arg10 : memref<128x128xf32, #tpu.memory_space<vmem>>) target(%dma_start3A_100 : memref<10240x128xf32, #tpu.memory_space<vmem_shared>>) offsets(%dma_start3A_97 : memref<128xi32, #tpu.memory_space<vmem>>) semaphore(%run_scoped3A_94 : memref<!tpu.dma_semaphore, #tpu.memory_space<semaphore_mem>>) {add = true}
      %dma_wait3A_101 = arith.constant 0 : i32
      %dma_wait3A_102 = tpu.memref_slice %arg8[%run_scoped3A_87, %run_scoped3A_88, %dma_wait3A_101] : memref<40x2x128xi32, #tpu.memory_space<vmem>> -> memref<1x1x128xi32, #tpu.memory_space<vmem>>
      %dma_wait3A_103 = tpu.memref_squeeze %dma_wait3A_102 : memref<1x1x128xi32, #tpu.memory_space<vmem>> -> memref<128xi32, #tpu.memory_space<vmem>>
      %dma_wait3A_104 = arith.constant 0 : i32
      %dma_wait3A_105 = arith.constant 0 : i32
      %dma_wait3A_106 = tpu.memref_slice %arg7[%dma_wait3A_104, %dma_wait3A_105] : memref<10240x128xf32, #tpu.memory_space<vmem_shared>> -> memref<10240x128xf32, #tpu.memory_space<vmem_shared>>
      tpu.wait_indirect_dma semaphore(%run_scoped3A_94 : memref<!tpu.dma_semaphore, #tpu.memory_space<semaphore_mem>>) src(%arg10 : memref<128x128xf32, #tpu.memory_space<vmem>>) dst(%dma_wait3A_106 : memref<10240x128xf32, #tpu.memory_space<vmem_shared>>)
      tpu.yield
    }) : () -> ()
    %barrier3A_89 = arith.constant 0 : index
    tpu.barrier barrier_id(%barrier3A_89)
    %mul3A_90 = arith.constant 640 : i32
    %mul3A_91 = arith.muli %arg1, %mul3A_90 : i32
    %mul3A_92 = arith.constant 640 : i32
    %mul3A_93 = arith.muli %arg1, %mul3A_92 : i32
    "tpu.region"() ({
      %run_scoped3A_94 = tpu.sem_alloc : memref<!tpu.dma_semaphore, #tpu.memory_space<semaphore_mem>>
      %dma_start3A_95 = arith.constant 0 : i32
      %dma_start3A_96 = tpu.memref_slice %arg6[%arg0, %mul3A_93, %dma_start3A_95] : memref<2x10240x128xf32, #tpu.memory_space<hbm>> -> memref<1x640x128xf32, #tpu.memory_space<hbm>>
      %dma_start3A_97 = tpu.memref_squeeze %dma_start3A_96 : memref<1x640x128xf32, #tpu.memory_space<hbm>> -> memref<640x128xf32, #tpu.memory_space<hbm>>
      %dma_start3A_98 = arith.constant 0 : i32
      %dma_start3A_99 = tpu.memref_slice %arg7[%mul3A_91, %dma_start3A_98] : memref<10240x128xf32, #tpu.memory_space<vmem_shared>> -> memref<640x128xf32, #tpu.memory_space<vmem_shared>>
      tpu.enqueue_dma source(%dma_start3A_99 : memref<640x128xf32, #tpu.memory_space<vmem_shared>>) target(%dma_start3A_97 : memref<640x128xf32, #tpu.memory_space<hbm>>) target_semaphore(%run_scoped3A_94 : memref<!tpu.dma_semaphore, #tpu.memory_space<semaphore_mem>>)
      %dma_wait3A_100 = arith.constant 0 : i32
      %dma_wait3A_101 = tpu.memref_slice %arg6[%arg0, %mul3A_93, %dma_wait3A_100] : memref<2x10240x128xf32, #tpu.memory_space<hbm>> -> memref<1x640x128xf32, #tpu.memory_space<hbm>>
      %dma_wait3A_102 = tpu.memref_squeeze %dma_wait3A_101 : memref<1x640x128xf32, #tpu.memory_space<hbm>> -> memref<640x128xf32, #tpu.memory_space<hbm>>
      %dma_wait3A_103 = arith.constant 0 : i32
      %dma_wait3A_104 = tpu.memref_slice %arg7[%mul3A_91, %dma_wait3A_103] : memref<10240x128xf32, #tpu.memory_space<vmem_shared>> -> memref<640x128xf32, #tpu.memory_space<vmem_shared>>
      tpu.wait_dma2 semaphore(%run_scoped3A_94 : memref<!tpu.dma_semaphore, #tpu.memory_space<semaphore_mem>>) src(%dma_wait3A_104 : memref<640x128xf32, #tpu.memory_space<vmem_shared>>) dst(%dma_wait3A_102 : memref<640x128xf32, #tpu.memory_space<hbm>>)
      tpu.yield
    }) : () -> ()
    return
  }
}

module attributes {stable_mosaic.version = 14 : i64} {
  func.func @_dense_in_body(%arg0: i32, %arg1: memref<1024x128xf32, #tpu.memory_space<vmem>>, %arg2: memref<128x128xf32, #tpu.memory_space<vmem>>, %arg3: memref<128x128xf32, #tpu.memory_space<vmem>>, %arg4: memref<1x128xf32, #tpu.memory_space<vmem>>, %arg5: memref<1024x128xf32, #tpu.memory_space<vmem>>, %arg6: memref<1024x128xf32, #tpu.memory_space<vmem>>) attributes {dimension_semantics = [#tpu.dimension_semantics<arbitrary>], iteration_bounds = array<i64: 10>, scalar_prefetch = 0 : i64, scratch_operands = 0 : i64, tpu.core_type = #tpu.core_type<tc>, window_params = [{transform_indices = @transform_0, window_bounds = array<i64: 1024, 128>}, {pipeline_mode = #tpu.pipeline_mode<synchronous>, transform_indices = @transform_1, window_bounds = array<i64: 128, 128>}, {pipeline_mode = #tpu.pipeline_mode<synchronous>, transform_indices = @transform_2, window_bounds = array<i64: 128, 128>}, {pipeline_mode = #tpu.pipeline_mode<synchronous>, transform_indices = @transform_3, window_bounds = array<i64: 1, 128>}, {transform_indices = @transform_4, window_bounds = array<i64: 1024, 128>}, {transform_indices = @transform_5, window_bounds = array<i64: 1024, 128>}]} {
    %get3A = arith.constant 0 : index
    %get3A_0 = arith.constant 0 : index
    %get3A_1 = vector.load %arg1[%get3A, %get3A_0] : memref<1024x128xf32, #tpu.memory_space<vmem>>, vector<1024x128xf32>
    %get3A_2 = arith.constant 0 : index
    %get3A_3 = arith.constant 0 : index
    %get3A_4 = vector.load %arg2[%get3A_2, %get3A_3] : memref<128x128xf32, #tpu.memory_space<vmem>>, vector<128x128xf32>
    %dot_general3A = arith.constant dense<0.000000e+00> : vector<1024x128xf32>
    %dot_general3A_5 = tpu.matmul %get3A_1, %get3A_4, %dot_general3A {dimension_numbers = #tpu.dot_dimension_numbers<[1], [0], [0], [1], [0, 0, 1, 1], [], []>, transpose_lhs_hint = false} : vector<1024x128xf32>, vector<128x128xf32>, vector<1024x128xf32> -> vector<1024x128xf32>
    %swap3A = arith.constant 0 : index
    %swap3A_6 = arith.constant 0 : index
    %swap3A_7 = vector.load %arg5[%swap3A, %swap3A_6] : memref<1024x128xf32, #tpu.memory_space<vmem>>, vector<1024x128xf32>
    tpu.vector_store %arg5[%swap3A, %swap3A_6], %dot_general3A_5 {strides = array<i32>} : memref<1024x128xf32, #tpu.memory_space<vmem>>, vector<1024x128xf32>,
    %get3A_8 = arith.constant 0 : index
    %get3A_9 = arith.constant 0 : index
    %get3A_10 = vector.load %arg3[%get3A_8, %get3A_9] : memref<128x128xf32, #tpu.memory_space<vmem>>, vector<128x128xf32>
    %dot_general3A_11 = arith.constant dense<0.000000e+00> : vector<1024x128xf32>
    %dot_general3A_12 = tpu.matmul %get3A_1, %get3A_10, %dot_general3A_11 {dimension_numbers = #tpu.dot_dimension_numbers<[1], [0], [0], [1], [0, 0, 1, 1], [], []>, transpose_lhs_hint = false} : vector<1024x128xf32>, vector<128x128xf32>, vector<1024x128xf32> -> vector<1024x128xf32>
    %get3A_13 = arith.constant 0 : index
    %get3A_14 = arith.constant 0 : index
    %get3A_15 = vector.load %arg4[%get3A_13, %get3A_14] : memref<1x128xf32, #tpu.memory_space<vmem>>, vector<1x128xf32>
    %add3A = vector.broadcast %get3A_15 : vector<1x128xf32> to vector<1024x128xf32>
    %add3A_16 = arith.addf %dot_general3A_12, %add3A : vector<1024x128xf32>
    %swap3A_17 = arith.constant 0 : index
    %swap3A_18 = arith.constant 0 : index
    %swap3A_19 = vector.load %arg6[%swap3A_17, %swap3A_18] : memref<1024x128xf32, #tpu.memory_space<vmem>>, vector<1024x128xf32>
    tpu.vector_store %arg6[%swap3A_17, %swap3A_18], %add3A_16 {strides = array<i32>} : memref<1024x128xf32, #tpu.memory_space<vmem>>, vector<1024x128xf32>,
    return
  }
  func.func @transform_0(%arg0: i32) -> (i32, i32) {
    %c0_i32 = arith.constant 0 : i32
    %c0_i32_0 = arith.constant 0 : i32
    return %arg0, %c0_i32 : i32, i32
  }
  func.func @transform_1(%arg0: i32) -> (i32, i32) {
    %c0_i32 = arith.constant 0 : i32
    %c0_i32_0 = arith.constant 0 : i32
    %c0_i32_1 = arith.constant 0 : i32
    return %c0_i32, %c0_i32_0 : i32, i32
  }
  func.func @transform_2(%arg0: i32) -> (i32, i32) {
    %c0_i32 = arith.constant 0 : i32
    %c0_i32_0 = arith.constant 0 : i32
    %c0_i32_1 = arith.constant 0 : i32
    return %c0_i32, %c0_i32_0 : i32, i32
  }
  func.func @transform_3(%arg0: i32) -> (i32, i32) {
    %c0_i32 = arith.constant 0 : i32
    %c0_i32_0 = arith.constant 0 : i32
    %c0_i32_1 = arith.constant 0 : i32
    return %c0_i32, %c0_i32_0 : i32, i32
  }
  func.func @transform_4(%arg0: i32) -> (i32, i32) {
    %c0_i32 = arith.constant 0 : i32
    %c0_i32_0 = arith.constant 0 : i32
    return %arg0, %c0_i32 : i32, i32
  }
  func.func @transform_5(%arg0: i32) -> (i32, i32) {
    %c0_i32 = arith.constant 0 : i32
    %c0_i32_0 = arith.constant 0 : i32
    return %arg0, %c0_i32 : i32, i32
  }
}

module attributes {stable_mosaic.version = 14 : i64} {
  func.func @_dense_mid_body(%arg0: i32, %arg1: memref<2x1024x128xf32, #tpu.memory_space<vmem>>, %arg2: memref<2x1024xf32, #tpu.memory_space<vmem>>, %arg3: memref<1024x128xf32, #tpu.memory_space<vmem>>, %arg4: memref<128x128xf32, #tpu.memory_space<vmem>>, %arg5: memref<128x128xf32, #tpu.memory_space<vmem>>, %arg6: memref<1x128xf32, #tpu.memory_space<vmem>>, %arg7: memref<1024x128xf32, #tpu.memory_space<vmem>>, %arg8: memref<1024x128xf32, #tpu.memory_space<vmem>>) attributes {dimension_semantics = [#tpu.dimension_semantics<arbitrary>], iteration_bounds = array<i64: 10>, scalar_prefetch = 0 : i64, scratch_operands = 0 : i64, tpu.core_type = #tpu.core_type<tc>, window_params = [{transform_indices = @transform_0, window_bounds = array<i64: 2, 1024, 128>}, {transform_indices = @transform_1, window_bounds = array<i64: 2, 1024>}, {transform_indices = @transform_2, window_bounds = array<i64: 1024, 128>}, {pipeline_mode = #tpu.pipeline_mode<synchronous>, transform_indices = @transform_3, window_bounds = array<i64: 128, 128>}, {pipeline_mode = #tpu.pipeline_mode<synchronous>, transform_indices = @transform_4, window_bounds = array<i64: 128, 128>}, {pipeline_mode = #tpu.pipeline_mode<synchronous>, transform_indices = @transform_5, window_bounds = array<i64: 1, 128>}, {transform_indices = @transform_6, window_bounds = array<i64: 1024, 128>}, {transform_indices = @transform_7, window_bounds = array<i64: 1024, 128>}]} {
    %get3A = arith.constant 0 : index
    %get3A_0 = arith.constant 0 : index
    %get3A_1 = vector.load %arg2[%get3A, %get3A_0] : memref<2x1024xf32, #tpu.memory_space<vmem>>, vector<1x1024xf32>
    %get3A_2 = vector.shape_cast %get3A_1 : vector<1x1024xf32> to vector<1024xf32>
    %get3A_3 = arith.constant 1 : index
    %get3A_4 = arith.constant 0 : index
    %get3A_5 = vector.load %arg2[%get3A_3, %get3A_4] : memref<2x1024xf32, #tpu.memory_space<vmem>>, vector<1x1024xf32>
    %get3A_6 = vector.shape_cast %get3A_5 : vector<1x1024xf32> to vector<1024xf32>
    %add3A = arith.addf %get3A_2, %get3A_6 : vector<1024xf32>
    %max3A = arith.constant 1.000000e+00 : f32
    %max3A_7 = vector.broadcast %max3A : f32 to vector<1024xf32>
    %max3A_8 = arith.maximumf %add3A, %max3A_7 : vector<1024xf32>
    %get3A_9 = arith.constant 0 : index
    %get3A_10 = arith.constant 0 : index
    %get3A_11 = arith.constant 0 : index
    %get3A_12 = vector.load %arg1[%get3A_9, %get3A_10, %get3A_11] : memref<2x1024x128xf32, #tpu.memory_space<vmem>>, vector<1x1024x128xf32>
    %get3A_13 = vector.shape_cast %get3A_12 : vector<1x1024x128xf32> to vector<1024x128xf32>
    %get3A_14 = arith.constant 1 : index
    %get3A_15 = arith.constant 0 : index
    %get3A_16 = arith.constant 0 : index
    %get3A_17 = vector.load %arg1[%get3A_14, %get3A_15, %get3A_16] : memref<2x1024x128xf32, #tpu.memory_space<vmem>>, vector<1x1024x128xf32>
    %get3A_18 = vector.shape_cast %get3A_17 : vector<1x1024x128xf32> to vector<1024x128xf32>
    %add3A_19 = arith.addf %get3A_13, %get3A_18 : vector<1024x128xf32>
    %broadcast_in_dim3A = vector.shape_cast %max3A_8 : vector<1024xf32> to vector<1024x1xf32>
    %div3A = vector.broadcast %broadcast_in_dim3A : vector<1024x1xf32> to vector<1024x128xf32>
    %div3A_20 = arith.divf %add3A_19, %div3A : vector<1024x128xf32>
    %get3A_21 = arith.constant 0 : index
    %get3A_22 = arith.constant 0 : index
    %get3A_23 = vector.load %arg3[%get3A_21, %get3A_22] : memref<1024x128xf32, #tpu.memory_space<vmem>>, vector<1024x128xf32>
    %add3A_24 = arith.addf %div3A_20, %get3A_23 : vector<1024x128xf32>
    %max3A_25 = arith.constant 0.000000e+00 : f32
    %max3A_26 = vector.broadcast %max3A_25 : f32 to vector<1024x128xf32>
    %max3A_27 = arith.maximumf %add3A_24, %max3A_26 : vector<1024x128xf32>
    %get3A_28 = arith.constant 0 : index
    %get3A_29 = arith.constant 0 : index
    %get3A_30 = vector.load %arg4[%get3A_28, %get3A_29] : memref<128x128xf32, #tpu.memory_space<vmem>>, vector<128x128xf32>
    %dot_general3A = arith.constant dense<0.000000e+00> : vector<1024x128xf32>
    %dot_general3A_31 = tpu.matmul %max3A_27, %get3A_30, %dot_general3A {dimension_numbers = #tpu.dot_dimension_numbers<[1], [0], [0], [1], [0, 0, 1, 1], [], []>, transpose_lhs_hint = false} : vector<1024x128xf32>, vector<128x128xf32>, vector<1024x128xf32> -> vector<1024x128xf32>
    %swap3A = arith.constant 0 : index
    %swap3A_32 = arith.constant 0 : index
    %swap3A_33 = vector.load %arg7[%swap3A, %swap3A_32] : memref<1024x128xf32, #tpu.memory_space<vmem>>, vector<1024x128xf32>
    tpu.vector_store %arg7[%swap3A, %swap3A_32], %dot_general3A_31 {strides = array<i32>} : memref<1024x128xf32, #tpu.memory_space<vmem>>, vector<1024x128xf32>,
    %get3A_34 = arith.constant 0 : index
    %get3A_35 = arith.constant 0 : index
    %get3A_36 = vector.load %arg5[%get3A_34, %get3A_35] : memref<128x128xf32, #tpu.memory_space<vmem>>, vector<128x128xf32>
    %dot_general3A_37 = arith.constant dense<0.000000e+00> : vector<1024x128xf32>
    %dot_general3A_38 = tpu.matmul %max3A_27, %get3A_36, %dot_general3A_37 {dimension_numbers = #tpu.dot_dimension_numbers<[1], [0], [0], [1], [0, 0, 1, 1], [], []>, transpose_lhs_hint = false} : vector<1024x128xf32>, vector<128x128xf32>, vector<1024x128xf32> -> vector<1024x128xf32>
    %get3A_39 = arith.constant 0 : index
    %get3A_40 = arith.constant 0 : index
    %get3A_41 = vector.load %arg6[%get3A_39, %get3A_40] : memref<1x128xf32, #tpu.memory_space<vmem>>, vector<1x128xf32>
    %add3A_42 = vector.broadcast %get3A_41 : vector<1x128xf32> to vector<1024x128xf32>
    %add3A_43 = arith.addf %dot_general3A_38, %add3A_42 : vector<1024x128xf32>
    %swap3A_44 = arith.constant 0 : index
    %swap3A_45 = arith.constant 0 : index
    %swap3A_46 = vector.load %arg8[%swap3A_44, %swap3A_45] : memref<1024x128xf32, #tpu.memory_space<vmem>>, vector<1024x128xf32>
    tpu.vector_store %arg8[%swap3A_44, %swap3A_45], %add3A_43 {strides = array<i32>} : memref<1024x128xf32, #tpu.memory_space<vmem>>, vector<1024x128xf32>,
    return
  }
  func.func @transform_0(%arg0: i32) -> (i32, i32, i32) {
    %c0_i32 = arith.constant 0 : i32
    %c0_i32_0 = arith.constant 0 : i32
    %c0_i32_1 = arith.constant 0 : i32
    return %c0_i32, %arg0, %c0_i32_0 : i32, i32, i32
  }
  func.func @transform_1(%arg0: i32) -> (i32, i32) {
    %c0_i32 = arith.constant 0 : i32
    %c0_i32_0 = arith.constant 0 : i32
    return %c0_i32, %arg0 : i32, i32
  }
  func.func @transform_2(%arg0: i32) -> (i32, i32) {
    %c0_i32 = arith.constant 0 : i32
    %c0_i32_0 = arith.constant 0 : i32
    return %arg0, %c0_i32 : i32, i32
  }
  func.func @transform_3(%arg0: i32) -> (i32, i32) {
    %c0_i32 = arith.constant 0 : i32
    %c0_i32_0 = arith.constant 0 : i32
    %c0_i32_1 = arith.constant 0 : i32
    return %c0_i32, %c0_i32_0 : i32, i32
  }
  func.func @transform_4(%arg0: i32) -> (i32, i32) {
    %c0_i32 = arith.constant 0 : i32
    %c0_i32_0 = arith.constant 0 : i32
    %c0_i32_1 = arith.constant 0 : i32
    return %c0_i32, %c0_i32_0 : i32, i32
  }
  func.func @transform_5(%arg0: i32) -> (i32, i32) {
    %c0_i32 = arith.constant 0 : i32
    %c0_i32_0 = arith.constant 0 : i32
    %c0_i32_1 = arith.constant 0 : i32
    return %c0_i32, %c0_i32_0 : i32, i32
  }
  func.func @transform_6(%arg0: i32) -> (i32, i32) {
    %c0_i32 = arith.constant 0 : i32
    %c0_i32_0 = arith.constant 0 : i32
    return %arg0, %c0_i32 : i32, i32
  }
  func.func @transform_7(%arg0: i32) -> (i32, i32) {
    %c0_i32 = arith.constant 0 : i32
    %c0_i32_0 = arith.constant 0 : i32
    return %arg0, %c0_i32 : i32, i32
  }
}

module attributes {stable_mosaic.version = 14 : i64} {
  func.func @_dense_out_body(%arg0: i32, %arg1: memref<2x1024x128xf32, #tpu.memory_space<vmem>>, %arg2: memref<2x1024xf32, #tpu.memory_space<vmem>>, %arg3: memref<1024x128xf32, #tpu.memory_space<vmem>>, %arg4: memref<1024x128xf32, #tpu.memory_space<vmem>>) attributes {dimension_semantics = [#tpu.dimension_semantics<arbitrary>], iteration_bounds = array<i64: 10>, scalar_prefetch = 0 : i64, scratch_operands = 0 : i64, tpu.core_type = #tpu.core_type<tc>, window_params = [{transform_indices = @transform_0, window_bounds = array<i64: 2, 1024, 128>}, {transform_indices = @transform_1, window_bounds = array<i64: 2, 1024>}, {transform_indices = @transform_2, window_bounds = array<i64: 1024, 128>}, {transform_indices = @transform_3, window_bounds = array<i64: 1024, 128>}]} {
    %get3A = arith.constant 0 : index
    %get3A_0 = arith.constant 0 : index
    %get3A_1 = vector.load %arg2[%get3A, %get3A_0] : memref<2x1024xf32, #tpu.memory_space<vmem>>, vector<1x1024xf32>
    %get3A_2 = vector.shape_cast %get3A_1 : vector<1x1024xf32> to vector<1024xf32>
    %get3A_3 = arith.constant 1 : index
    %get3A_4 = arith.constant 0 : index
    %get3A_5 = vector.load %arg2[%get3A_3, %get3A_4] : memref<2x1024xf32, #tpu.memory_space<vmem>>, vector<1x1024xf32>
    %get3A_6 = vector.shape_cast %get3A_5 : vector<1x1024xf32> to vector<1024xf32>
    %add3A = arith.addf %get3A_2, %get3A_6 : vector<1024xf32>
    %max3A = arith.constant 1.000000e+00 : f32
    %max3A_7 = vector.broadcast %max3A : f32 to vector<1024xf32>
    %max3A_8 = arith.maximumf %add3A, %max3A_7 : vector<1024xf32>
    %get3A_9 = arith.constant 0 : index
    %get3A_10 = arith.constant 0 : index
    %get3A_11 = arith.constant 0 : index
    %get3A_12 = vector.load %arg1[%get3A_9, %get3A_10, %get3A_11] : memref<2x1024x128xf32, #tpu.memory_space<vmem>>, vector<1x1024x128xf32>
    %get3A_13 = vector.shape_cast %get3A_12 : vector<1x1024x128xf32> to vector<1024x128xf32>
    %get3A_14 = arith.constant 1 : index
    %get3A_15 = arith.constant 0 : index
    %get3A_16 = arith.constant 0 : index
    %get3A_17 = vector.load %arg1[%get3A_14, %get3A_15, %get3A_16] : memref<2x1024x128xf32, #tpu.memory_space<vmem>>, vector<1x1024x128xf32>
    %get3A_18 = vector.shape_cast %get3A_17 : vector<1x1024x128xf32> to vector<1024x128xf32>
    %add3A_19 = arith.addf %get3A_13, %get3A_18 : vector<1024x128xf32>
    %broadcast_in_dim3A = vector.shape_cast %max3A_8 : vector<1024xf32> to vector<1024x1xf32>
    %div3A = vector.broadcast %broadcast_in_dim3A : vector<1024x1xf32> to vector<1024x128xf32>
    %div3A_20 = arith.divf %add3A_19, %div3A : vector<1024x128xf32>
    %get3A_21 = arith.constant 0 : index
    %get3A_22 = arith.constant 0 : index
    %get3A_23 = vector.load %arg3[%get3A_21, %get3A_22] : memref<1024x128xf32, #tpu.memory_space<vmem>>, vector<1024x128xf32>
    %add3A_24 = arith.addf %div3A_20, %get3A_23 : vector<1024x128xf32>
    %reduce_max3A = arith.constant dense<0xFF800000> : vector<1024xf32>
    %reduce_max3A_25 = vector.multi_reduction <maximumf>, %add3A_24, %reduce_max3A [1] : vector<1024x128xf32> to vector<1024xf32>
    %broadcast_in_dim3A_26 = vector.shape_cast %reduce_max3A_25 : vector<1024xf32> to vector<1024x1xf32>
    %sub3A = vector.broadcast %broadcast_in_dim3A_26 : vector<1024x1xf32> to vector<1024x128xf32>
    %sub3A_27 = arith.subf %add3A_24, %sub3A : vector<1024x128xf32>
    %exp3A = math.exp %sub3A_27 : vector<1024x128xf32>
    %reduce_sum3A = arith.constant dense<0.000000e+00> : vector<1024xf32>
    %reduce_sum3A_28 = vector.multi_reduction <add>, %exp3A, %reduce_sum3A [1] : vector<1024x128xf32> to vector<1024xf32>
    %broadcast_in_dim3A_29 = vector.shape_cast %reduce_sum3A_28 : vector<1024xf32> to vector<1024x1xf32>
    %sub3A_30 = vector.broadcast %broadcast_in_dim3A_26 : vector<1024x1xf32> to vector<1024x128xf32>
    %sub3A_31 = arith.subf %add3A_24, %sub3A_30 : vector<1024x128xf32>
    %log3A = math.log %broadcast_in_dim3A_29 : vector<1024x1xf32>
    %sub3A_32 = vector.broadcast %log3A : vector<1024x1xf32> to vector<1024x128xf32>
    %sub3A_33 = arith.subf %sub3A_31, %sub3A_32 : vector<1024x128xf32>
    %swap3A = arith.constant 0 : index
    %swap3A_34 = arith.constant 0 : index
    %swap3A_35 = vector.load %arg4[%swap3A, %swap3A_34] : memref<1024x128xf32, #tpu.memory_space<vmem>>, vector<1024x128xf32>
    tpu.vector_store %arg4[%swap3A, %swap3A_34], %sub3A_33 {strides = array<i32>} : memref<1024x128xf32, #tpu.memory_space<vmem>>, vector<1024x128xf32>,
    return
  }
  func.func @transform_0(%arg0: i32) -> (i32, i32, i32) {
    %c0_i32 = arith.constant 0 : i32
    %c0_i32_0 = arith.constant 0 : i32
    %c0_i32_1 = arith.constant 0 : i32
    return %c0_i32, %arg0, %c0_i32_0 : i32, i32, i32
  }
  func.func @transform_1(%arg0: i32) -> (i32, i32) {
    %c0_i32 = arith.constant 0 : i32
    %c0_i32_0 = arith.constant 0 : i32
    return %c0_i32, %arg0 : i32, i32
  }
  func.func @transform_2(%arg0: i32) -> (i32, i32) {
    %c0_i32 = arith.constant 0 : i32
    %c0_i32_0 = arith.constant 0 : i32
    return %arg0, %c0_i32 : i32, i32
  }
  func.func @transform_3(%arg0: i32) -> (i32, i32) {
    %c0_i32 = arith.constant 0 : i32
    %c0_i32_0 = arith.constant 0 : i32
    return %arg0, %c0_i32 : i32, i32
  }
}

</mosaic_0001>

<sc_bundles>
// kernel: kernel.10.cloned.1.call-start
scs
__scs_entry_jumppad:
0x0: {  	(pc) =	sbr.rel $0x88, $3  }
0x1: {  	(tag) =	ssettag $0x0;
	lr =	simm.s32 $0x1  }
0x2: {  	[smem:$0x3F99] =	sst lr;
	_ =	strace $0xD0000000  }
0x3: {  	_ = 	snop  }
0x4: {  	_ = 	snop  }
0x5: {  	_ = 	snop  }
0x6: {  	_ = 	snop  }
0x7: {  	_ = 	snop  }
__scs_overlays_trampoline_lowered:
0x8: {  	[smem:$0x3FA8] =	sst s0  }
0x9: {  	[smem:$0x3FA9] =	sst s1  }
0xa: {  	[smem:$0x3FAA] =	sst s2  }
0xb: {  	[smem:$0x3FAB] =	sst s3  }
0xc: {  	[smem:$0x3FAC] =	sst s4  }
0xd: {  	[smem:$0x3FAD] =	sst s5  }
0xe: {  	[smem:$0x3FAE] =	sst s6  }
0xf: {  	[smem:$0x3FAF] =	sst s7  }
0x10: {  	[smem:$0x3FB0] =	sst s8  }
0x11: {  	[smem:$0x3FB1] =	sst s9;
	s0 =	simm.s32 @!p0 $0x0  }
0x12: {  	s1 =	sld [smem:$0x3F97];
	s0 =	simm.s32 @p0 $0x1  }
0x13: {  	[smem:$0x3FB2] =	sst s0;
	s0 =	simm.s32 @!p1 $0x0  }
0x14: {  	s2 =	sld [smem:$0x3F96];
	s0 =	simm.s32 @p1 $0x1  }
0x15: {  	[smem:$0x3FB3] =	sst s0;
	s0 =	simm.s32 @!p2 $0x0  }
0x16: {  	s3 =	sld [smem:$0x3FDB];
	s0 =	simm.s32 @p2 $0x1  }
0x17: {  	s4 =	simm.s32 $0x1BF5;
	[smem:$0x3FB5] =	sst s0  }
0x18: {  	s0 =	sld [smem:$0x3F98];
	_ =	swait.ge [sflag:s4], $0x0  }
0x19: {  	s7 =	sld [smem:$0x3F99]  }
0x1a: {  	s8 =	sadd.s32 $0xFFFFE003, lr  }
0x1b: {  	s9 =	sadd.s32 $0xFFFFFEF7, lr;
	s5 =	simm.s32 $0xFFFFFFFF;
	p2 =	slt.u32 s8, $0xFFFFF086  }
0x1c: {  	p1 =	slt.u32 s9, $0xF7A;
	s5 =	simm.s32 @!p2 $0x0  }
0x1d: {  	s5 =	simm.s32 @p1 $0x1;
	p0 =	seq.s32 s7, s2  }
0x1e: {  	s7 =	smul.u32 @!p0 $0xF7A, s2;
	p2 =	seq.s32 @!p0 s5, $0x0  }
0x1f: {  	s9 =	smul.u32 $0xF7A, s1;
	s8 =	simm.s32 @!p0 $0x1BF5;
	p2 =	por !p2, p0  }
0x20: {  	[sflag:s8] =	ssyncset.s32 @!p0 $0xFFFFF086;
	s6 =	sadd.s32 @!p0 s3, s7;
	s7 =	simm.s32 @!p0 $0x108  }
0x21: {  	s3 =	sadd.s32 s3, s9;
	s6 =	sadd.s32 @!p0 $0x88, s6;
	s7 =	simm.s32 @p2 $0x1082  }
0x22: {  	[simem:s7], [sflag:s8] =	dma.local @!p0 [hbm:s6], $0xF7A  }
0x23: {  	s9 =	sor.u32 $0xD0000000, s2;
	s6 =	simm.s32 $0x108;
	_ =	swait.ge @!p0 [sflag:s8], $0x0  }
0x24: {  	s3 =	sadd.s32 $0x88, s3;
	s6 =	simm.s32 @!p1 $0x1082;
	[sflag:s4] =	ssyncset.s32 $0xFFFFF086  }
0x25: {  	[simem:s6], [sflag:s4] =	dma.local [hbm:s3], $0xF7A  }
0x26: {  	[smem:$0x3F99] =	sst s1;
	(tag) =	ssettag s2;
	_ =	strace s9  }
0x27: {  	s1 =	sld [smem:$0x3FA9]  }
0x28: {  	s2 =	sld [smem:$0x3FAA]  }
0x29: {  	s4 =	sld [smem:$0x3FAC]  }
0x2a: {  	p0 =	seq.s32 s5, $0x0;
	s5 =	sld [smem:$0x3FAD]  }
0x2b: {  	s6 =	sld [smem:$0x3FAE]  }
0x2c: {  	s7 =	sld [smem:$0x3FAF]  }
0x2d: {  	s3 =	simm.s32 $0x108;
	s8 =	sld [smem:$0x3FB0]  }
0x2e: {  	s3 =	simm.s32 @!p0 $0x1082;
	s9 =	sld [smem:$0x3FB1]  }
0x2f: {  	lr =	sadd.s32 s0, s3;
	s0 =	sld [smem:$0x3FA8]  }
0x30: {  	s3 =	sld [smem:$0x3FAB]  }
0x31: {  	[smem:$0x3FB4] =	sst s10  }
0x32: {  	s10 =	sld [smem:$0x3FB2];
	_ =	sdelay $0x3  }
0x33: {  	p0 =	seq.s32 s10, $0x1;
	s10 =	sld [smem:$0x3FB4];
	_ =	sdelay $0x3  }
0x34: {  	[smem:$0x3FB4] =	sst s10  }
0x35: {  	s10 =	sld [smem:$0x3FB3];
	_ =	sdelay $0x3  }
0x36: {  	p1 =	seq.s32 s10, $0x1;
	s10 =	sld [smem:$0x3FB4];
	_ =	sdelay $0x3  }
0x37: {  	[smem:$0x3FB4] =	sst s10  }
0x38: {  	s10 =	sld [smem:$0x3FB5]  }
0x39: {  	_ = 	snop;
	(pc) =	sbr.ind lr, $3  }
0x3a: {  	_ = 	snop  }
0x3b: {  	_ = 	snop  }
0x3c: {  	p2 =	seq.s32 s10, $0x1;
	s10 =	sld [smem:$0x3FB4]  }
0x3d: {  	_ =	shalt  }
0x3e: {  	_ =	shalt  }
0x3f: {  	_ =	shalt  }
0x40: {  	_ =	shalt  }
0x41: {  	_ =	shalt  }
0x42: {  	_ =	shalt  }
0x43: {  	_ =	shalt  }
0x44: {  	_ =	shalt  }
0x45: {  	_ =	shalt  }
0x46: {  	_ =	shalt  }
0x47: {  	_ =	shalt  }
0x48: {  	_ =	shalt  }
0x49: {  	_ =	shalt  }
0x4a: {  	_ =	shalt  }
0x4b: {  	_ =	shalt  }
0x4c: {  	_ =	shalt  }
0x4d: {  	_ =	shalt  }
0x4e: {  	_ =	shalt  }
0x4f: {  	_ =	shalt  }
0x50: {  	_ =	shalt  }
0x51: {  	_ =	shalt  }
0x52: {  	_ =	shalt  }
0x53: {  	_ =	shalt  }
0x54: {  	_ =	shalt  }
0x55: {  	_ =	shalt  }
0x56: {  	_ =	shalt  }
0x57: {  	_ =	shalt  }
0x58: {  	_ =	shalt  }
0x59: {  	_ =	shalt  }
0x5a: {  	_ =	shalt  }
0x5b: {  	_ =	shalt  }
0x5c: {  	_ =	shalt  }
0x5d: {  	_ =	shalt  }
0x5e: {  	_ =	shalt  }
0x5f: {  	_ =	shalt  }
0x60: {  	_ =	shalt  }
0x61: {  	_ =	shalt  }
0x62: {  	_ =	shalt  }
0x63: {  	_ =	shalt  }
0x64: {  	_ =	shalt  }
0x65: {  	_ =	shalt  }
0x66: {  	_ =	shalt  }
0x67: {  	_ =	shalt  }
0x68: {  	_ =	shalt  }
0x69: {  	_ =	shalt  }
0x6a: {  	_ =	shalt  }
0x6b: {  	_ =	shalt  }
0x6c: {  	_ =	shalt  }
0x6d: {  	_ =	shalt  }
0x6e: {  	_ =	shalt  }
0x6f: {  	_ =	shalt  }
0x70: {  	_ =	shalt  }
0x71: {  	_ =	shalt  }
0x72: {  	_ =	shalt  }
0x73: {  	_ =	shalt  }
0x74: {  	_ =	shalt  }
0x75: {  	_ =	shalt  }
0x76: {  	_ =	shalt  }
0x77: {  	_ =	shalt  }
0x78: {  	_ =	shalt  }
0x79: {  	_ =	shalt  }
0x7a: {  	_ =	shalt  }
0x7b: {  	_ =	shalt  }
0x7c: {  	_ =	shalt  }
0x7d: {  	_ =	shalt  }
0x7e: {  	_ =	shalt  }
0x7f: {  	_ =	shalt  }
0x80: {  	_ =	shalt  }
0x81: {  	_ =	shalt  }
0x82: {  	_ =	shalt  }
0x83: {  	_ =	shalt  }
0x84: {  	_ =	shalt  }
0x85: {  	_ =	shalt  }
0x86: {  	_ =	shalt  }
0x87: {  	_ =	shalt  }
.Lfunc_end0:
.L_simem_size_0:
called_computation.1_lowered:
.L_overlay_start_0:
0x88: {  	s2 =	sld [smem:$0x3FD9]  }
0x89: {  	s3 =	sld [smem:$0x3FFE];
	_ =	sdelay $0x1  }
0x8a: {  	s1 =	srdreg.scid  }
0x8b: {  	s0 =	sand.u32 $0x1, s1  }
0x8c: {  	s17 =	sshll.u32 s0, $0xA;
	s2 =	sadd.s32 s3, s2  }
0x8d: {  	s2 =	sadd.s32 s2, s17  }
0x8e: {  	[smem:$0x3FC0] =	sst s2  }
0x8f: {  	_ = 	snop  }
0x90: {  	s2 =	sld [smem:$0x3FD0];
	(tm) =	ssettm $0x1  }
0x91: {  	s18 =	sld [smem:$0x3FFB];
	_ =	sdelay $0x3  }
0x92: {  	_ =	strace s18  }
0x93: {  	s3 =	sld [smem:$0x3FFC];
	_ =	sdelay $0x3  }
0x94: {  	_ =	strace s3  }
0x95: {  	s3 =	sld [smem:$0x3FFD];
	_ =	sdelay $0x3  }
0x96: {  	_ =	strace s3  }
0x97: {  	_ =	strace $0x8FFFFFFF  }
0x98: {  	s19 =	sld [smem:$0x3FDB];
	_ =	sdelay $0x1  }
0x99: {  	s4 =	simm.s32 $_scs_section_size  }
0x9a: {  	s5 =	simm.s32 $_size__tile_overlayer_lowered;
	s6 =	simm.s32 $_tile_overlayer_lowered  }
0x9b: {  	s22 =	simm.s32 $0x1BFF;
	s21 =	sshll.u32 s6, $0x1;
	s3 =	sadd.s32 s4, s19  }
0x9c: {  	s7 =	simm.s32 $0x0;
	s20 =	sshll.u32 s5, $0x1;
	s5 =	sadd.s32 s21, s3  }
0x9d: {  	[timem:s7], [sflag:s22] =	dma.local [hbm:s5], s20  }
0x9e: {  	_ =	swait.ge [sflag:s22], s20  }
0x9f: {  	s4 =	ssub.s32 $0x0, s20;
	[sflag:s22] =	ssyncset.done $0x0  }
0xa0: {  	[sflag:s22] =	ssyncadd.s32 s4;
	_ =	sdelay $0x1  }
0xa1: {  	s23 =	simm.s32 $0x1B8B  }
0xa2: {  	_ =	swait.ge [sflag:s23], $0x1  }
0xa3: {  	[sflag:s23] =	ssyncset.done $0x0  }
0xa4: {  	s25 =	simm.s32 $0x1B8E;
	s24 =	sld [smem:$0x3FFE];
	[sflag:s23] =	ssyncadd.s32 $0xFFFFFFFF  }
0xa5: {  	s26 =	simm.s32 $execute0_lowered;
	[smem:$0x3FD2] =	sst s25  }
0xa6: {  	s5 =	sshll.u32 s26, $0x1;
	_ =	strace $0x80000049;
	[dreg:$0x1] =	wrdreg $0xFFFFFFFF  }
0xa7: {  	s28 =	simm.s32 $_size_execute0_lowered;
	s3 =	sadd.s32 s3, s5;
	[dreg:$0x0] =	wrdreg $0x0  }
0xa8: {  	s5 =	sshll.u32 s28, $0x1;
	[dreg:$0x2] =	wrdreg s3  }
0xa9: {  	[dreg:$0x3] =	wrdreg s5  }
0xaa: {  	[dreg:$0x4] =	wrdreg $0xC0  }
0xab: {  	_ =	task [dreg:s7], $0x5FFFF  }
0xac: {  	[dreg:$0x1] =	wrdreg $0xFFFFFFFF  }
0xad: {  	[dreg:$0x0] =	wrdreg $0x60  }
0xae: {  	[dreg:$0x2] =	wrdreg s24  }
0xaf: {  	[dreg:$0x3] =	wrdreg s2  }
0xb0: {  	[dreg:$0x4] =	wrdreg $0x0  }
0xb1: {  	[dreg:$0x5] =	wrdreg $0x9  }
0xb2: {  	_ =	task.clear_ibuf [dreg:s7], $0x6FFFF;
	_ =	strace $0x90000049  }
0xb3: {  	s29 =	simm.s32 $0x9;
	_ =	strace $0x8000004B  }
0xb4: {  	_ =	swait.ge [sflag:s29], $0x1  }
0xb5: {  	[sflag:s29] =	ssyncadd.s32 $0xFFFFFFFF  }
0xb6: {  	_ =	strace $0x9000004B  }
0xb7: {  	_ =	sfence  }
0xb8: {  	s30 =	sld [smem:$0x0];
	_ =	sdelay $0x2  }
0xb9: {  	s31 =	sshll.u32 s1, $0xD;
	s1 =	sshrl.u32 s1, $0x2  }
0xba: {  	s3 =	sand.u32 $0x4000, s31;
	s1 =	sadd.s32 s1, s30  }
0xbb: {  	s0 =	sor.u32 s3, s0;
	s1 =	sshll.u32 s1, $0x11  }
0xbc: {  	s0 =	sor.u32 s1, s0  }
0xbd: {  	s0 =	sadd.s32 $0x8F2B, s0  }
0xbe: {  	[sflag:s0] =	ssyncadd.remote.s32 $0x1  }
0xbf: {  	_ =	sfence.sel $0xFFFF  }
0xc0: {  	[dreg:$0x0] =	wrdreg $0xFFFFFFFF;
	(pc) =	sbr.abs _section_cstart, $3  }
0xc1: {  	[dreg:$0x1] =	wrdreg $0xFFFFFFFF  }
0xc2: {  	_ =	task.clear_ibuf [dreg:s7], $0x2FFFF;
	_ =	strace $0x9FFFFFFF  }
0xc3: {  	(tm) =	ssettm $0x7FFFFFFF  }
tec
execute0_lowered:
.L_overlay_start_1:
0x0: {  	(tag) =	ssettag $0x1  }
0x1: {  	s6 =	rddreg [dreg:$0x0]  }
0x2: {  	s8 =	rddreg [dreg:$0x1];
	s0 =	srdreg.scid  }
0x3: {  	s2 =	rddreg [dreg:$0x2];
	s1 =	stileid.u32  }
0x4: {  	s3 =	simm.s32 $0x0;
	s14 =	simm.s32 $0x80;
	s15 =	simm.s32 $0x16800  }
0x5: {  	s16 =	simm.s32 $0x14100;
	s17 =	simm.s32 $0x1A800;
	s18 =	simm.s32 $0x1  }
0x6: {  	s19 =	simm.s32 $0x2;
	s20 =	simm.s32 $0x16680;
	s21 =	simm.s32 $0x16780  }
0x7: {  	s7 =	sand.u32 $0x1, s0;
	s0 =	rddreg [dreg:$0x3];
	s9 =	smul.u32 $0x14000, s1  }
0x8: {  	s22 =	simm.s32 $0x0;
	[smem:$0x7FF] =	sst s3;
	s11 =	smul.u32 $0x50000, s1  }
0x9: {  	s4 =	sadd.s32 $0x2400, s6;
	s30 =	sshll.u32 s1, $0x6;
	s5 =	smul.u32 $0x140000, s7  }
0xa: {  	_ =	strace $0x8000004A;
	s10 =	sshll.u32 s7, $0x4;
	s7 =	ssub.s32 $0x2, s7  }
0xb: {  	s10 =	sor.u32 s1, s10;
	s26 =	sshrl.u32 s7, $0x1;
	s28 =	sshrl.u32 s11, $0x2  }
0xc: {  	s9 =	sadd.s32 s9, s5;
	s5 =	sadd.s32 $0x2A600, s6;
	s12 =	smul.u32 $0x5000, s10  }
0xd: {  	s13 =	ssub.s32 s7, s26;
	s29 =	smul.u32 $0xA00, s10;
	s11 =	sadd.s32 s28, s2  }
0xe: {  	s9 =	sshrl.u32 s9, $0x3;
	s10 =	smax.u32 s13, $0x1;
	s11 =	sshrl.u32 s11, $0x3  }
0xf: {  	s13 =	simm.s32 $0x14000;
	s9 =	sadd.s32 s9, s6;
	s31 =	sshrl.u32 s12, $0x3  }
0x10: {  	s6 =	sor.u32 $0x1C03, s30;
	s7 =	sadd.s32 s8, s29;
	s8 =	sadd.s32 s8, s31  }
0x11: {  	s12 =	simm.s32 $0x3;
	s9 =	sadd.s32 $0x2CE00, s9;
	s8 =	sadd.s32 $0x500, s8  }
.LBB2_1:
0x12: {  	[spmem:s11], [sflag:s6] =	dma.local [hbm:s5], $0x2800  }
0x13: {  	_ =	swait.ge [sflag:s12], $0x2800  }
0x14: {  	[sflag:s12] =	ssyncset.done $0x0  }
0x15: {  	[sflag:s12] =	ssyncadd.s32 $0xFFFFD800  }
0x16: {  	[bflag:$0x0] =	sbarrier.arrive $0xFFFF  }
0x17: {  	[tilespmem:s13], [sflag:$0x3] =	stream.linear.gather [hbm4b:s7+s3], $0x2800, $0x38;
	[tilespmem:$0x1E800] =	vst v63  }
0x18: {  	_ =	swait.ge [sflag:s12], $0x2800  }
0x19: {  	[sflag:s12] =	ssyncset.done $0x0  }
0x1a: {  	[sflag:s12] =	ssyncadd.s32 $0xFFFFD800  }
0x1b: {  	[tilespmem:s15], [sflag:$0x1] =	stream.indirect.gather [hbm4b:s4+s14], $0x80, s13, s14, $0xb8;
	[tilespmem:$0x1E800] =	vst v63  }
0x1c: {  	_ = 	snop  }
0x1d: {  	[tilespmem:s17], [sflag:$0x2] =	stream.indirect.gather [hbm4b:s4+s14], $0x80, s16, s14, $0xb8;
	[tilespmem:$0x1E800] =	vst v63  }
0x1e: {  	_ =	swait.ge [sflag:s18], $0x4000  }
0x1f: {  	[sflag:s18] =	ssyncset.done $0x0  }
0x20: {  	s23 =	simm.s32 $0x14080;
	[sflag:s18] =	ssyncadd.s32 $0xFFFFC000  }
0x21: {  	[spmem:s2] =	stream.indirect.scatter.add.f32 [tilespmem:s15], [sflag:$0x3], $0x80, s23, s14, $0xb8;
	[tilespmem:$0x1E800] =	vst v63  }
0x22: {  	_ =	swait.ge [sflag:s12], $0x4000  }
0x23: {  	[sflag:s12] =	ssyncset.done $0x0  }
0x24: {  	s30 =	simm.s32 $0x14200;
	[sflag:s12] =	ssyncadd.s32 $0xFFFFC000  }
0x25: {  	[tilespmem:s15], [sflag:$0x1] =	stream.indirect.gather [hbm4b:s4+s14], $0x80, s30, s14, $0xb8;
	[tilespmem:$0x1E800] =	vst v63  }
0x26: {  	_ =	swait.ge [sflag:s19], $0x4000  }
0x27: {  	[sflag:s19] =	ssyncset.done $0x0  }
0x28: {  	s31 =	simm.s32 $0x14180;
	[sflag:s19] =	ssyncadd.s32 $0xFFFFC000  }
0x29: {  	[spmem:s2] =	stream.indirect.scatter.add.f32 [tilespmem:s17], [sflag:$0x3], $0x80, s31, s14, $0xb8;
	[tilespmem:$0x1E800] =	vst v63  }
0x2a: {  	_ =	swait.ge [sflag:s12], $0x4000  }
0x2b: {  	[sflag:s12] =	ssyncset.done $0x0  }
0x2c: {  	s24 =	simm.s32 $0x14300;
	s23 =	simm.s32 $0xFFFF7000;
	[sflag:s12] =	ssyncadd.s32 $0xFFFFC000  }
.LBB2_2:
0x2d: {  	[tilespmem:s17], [sflag:$0x2] =	stream.indirect.gather [hbm4b:s4+s14], $0x80, s24, s14, $0xb8;
	[tilespmem:$0x1E800] =	vst v63  }
0x2e: {  	s24 =	smov.u32 s23  }
0x2f: {  	p0 =	sne.s32 s23, $0xFFFFF800;
	s23 =	sadd.s32 $0x800, s23;
	_ =	swait.ge [sflag:s18], $0x4000  }
0x30: {  	s24 =	sshra.s32 s24, $0x2;
	[sflag:s18] =	ssyncset.done $0x0  }
0x31: {  	s25 =	sadd.s32 $0x16680, s24;
	[sflag:s18] =	ssyncadd.s32 $0xFFFFC000  }
0x32: {  	[spmem:s2] =	stream.indirect.scatter.add.f32 [tilespmem:s15], [sflag:$0x3], $0x80, s25, s14, $0xb8;
	[tilespmem:$0x1E800] =	vst v63  }
0x33: {  	_ =	swait.ge [sflag:s12], $0x4000  }
0x34: {  	[sflag:s12] =	ssyncset.done $0x0  }
0x35: {  	s25 =	sadd.s32 $0x16800, s24;
	[sflag:s12] =	ssyncadd.s32 $0xFFFFC000  }
0x36: {  	[tilespmem:s15], [sflag:$0x1] =	stream.indirect.gather [hbm4b:s4+s14], $0x80, s25, s14, $0xb8;
	[tilespmem:$0x1E800] =	vst v63  }
0x37: {  	_ =	swait.ge [sflag:s19], $0x4000  }
0x38: {  	[sflag:s19] =	ssyncset.done $0x0  }
.Ltmp0:
0x39: {  	s25 =	sadd.s32 $0x16780, s24;
	[sflag:s19] =	ssyncadd.s32 $0xFFFFC000;
	(pc) =	sbr.rel @p0 .LBB2_2-.Ltmp0, $4  }
0x3a: {  	[spmem:s2] =	stream.indirect.scatter.add.f32 [tilespmem:s17], [sflag:$0x3], $0x80, s25, s14, $0xb8;
	[tilespmem:$0x1E800] =	vst v63  }
0x3b: {  	_ =	swait.ge [sflag:s12], $0x4000  }
0x3c: {  	[sflag:s12] =	ssyncset.done $0x0  }
0x3d: {  	s24 =	sadd.s32 $0x16900, s24;
	[sflag:s12] =	ssyncadd.s32 $0xFFFFC000  }
0x3e: {  	[tilespmem:s17], [sflag:$0x2] =	stream.indirect.gather [hbm4b:s4+s14], $0x80, s24, s14, $0xb8;
	[tilespmem:$0x1E800] =	vst v63  }
0x3f: {  	_ =	swait.ge [sflag:s18], $0x4000  }
0x40: {  	[sflag:s18] =	ssyncset.done $0x0  }
0x41: {  	[sflag:s18] =	ssyncadd.s32 $0xFFFFC000  }
0x42: {  	[spmem:s2] =	stream.indirect.scatter.add.f32 [tilespmem:s15], [sflag:$0x3], $0x80, s20, s14, $0xb8;
	[tilespmem:$0x1E800] =	vst v63  }
0x43: {  	_ =	swait.ge [sflag:s12], $0x4000  }
0x44: {  	[sflag:s12] =	ssyncset.done $0x0  }
0x45: {  	[sflag:s12] =	ssyncadd.s32 $0xFFFFC000  }
0x46: {  	_ =	swait.ge [sflag:s19], $0x4000  }
0x47: {  	[sflag:s19] =	ssyncset.done $0x0  }
0x48: {  	[sflag:s19] =	ssyncadd.s32 $0xFFFFC000  }
0x49: {  	[spmem:s2] =	stream.indirect.scatter.add.f32 [tilespmem:s17], [sflag:$0x3], $0x80, s21, s14, $0xb8;
	[tilespmem:$0x1E800] =	vst v63  }
0x4a: {  	_ =	swait.ge [sflag:s12], $0x4000  }
0x4b: {  	[sflag:s12] =	ssyncset.done $0x0  }
0x4c: {  	[sflag:s12] =	ssyncadd.s32 $0xFFFFC000  }
0x4d: {  	[tilespmem:s13], [sflag:$0x3] =	stream.linear.gather [hbm4b:s8+s3], $0x2800, $0x38;
	[tilespmem:$0x1E800] =	vst v63  }
0x4e: {  	_ =	swait.ge [sflag:s12], $0x2800  }
0x4f: {  	[sflag:s12] =	ssyncset.done $0x0  }
0x50: {  	[sflag:s12] =	ssyncadd.s32 $0xFFFFD800  }
0x51: {  	[tilespmem:s15], [sflag:$0x1] =	stream.indirect.gather [hbm4b:s4+s14], $0x80, s13, s14, $0xb8;
	[tilespmem:$0x1E800] =	vst v63  }
0x52: {  	_ = 	snop  }
0x53: {  	[tilespmem:s17], [sflag:$0x2] =	stream.indirect.gather [hbm4b:s4+s14], $0x80, s16, s14, $0xb8;
	[tilespmem:$0x1E800] =	vst v63  }
0x54: {  	_ =	swait.ge [sflag:s18], $0x4000  }
0x55: {  	[sflag:s18] =	ssyncset.done $0x0  }
0x56: {  	s23 =	simm.s32 $0x14080;
	[sflag:s18] =	ssyncadd.s32 $0xFFFFC000  }
0x57: {  	[spmem:s2] =	stream.indirect.scatter.add.f32 [tilespmem:s15], [sflag:$0x3], $0x80, s23, s14, $0xb8;
	[tilespmem:$0x1E800] =	vst v63  }
0x58: {  	_ =	swait.ge [sflag:s12], $0x4000  }
0x59: {  	[sflag:s12] =	ssyncset.done $0x0  }
0x5a: {  	s30 =	simm.s32 $0x14200;
	[sflag:s12] =	ssyncadd.s32 $0xFFFFC000  }
0x5b: {  	[tilespmem:s15], [sflag:$0x1] =	stream.indirect.gather [hbm4b:s4+s14], $0x80, s30, s14, $0xb8;
	[tilespmem:$0x1E800] =	vst v63  }
0x5c: {  	_ =	swait.ge [sflag:s19], $0x4000  }
0x5d: {  	[sflag:s19] =	ssyncset.done $0x0  }
0x5e: {  	s31 =	simm.s32 $0x14180;
	[sflag:s19] =	ssyncadd.s32 $0xFFFFC000  }
0x5f: {  	[spmem:s2] =	stream.indirect.scatter.add.f32 [tilespmem:s17], [sflag:$0x3], $0x80, s31, s14, $0xb8;
	[tilespmem:$0x1E800] =	vst v63  }
0x60: {  	_ =	swait.ge [sflag:s12], $0x4000  }
0x61: {  	[sflag:s12] =	ssyncset.done $0x0  }
0x62: {  	s24 =	simm.s32 $0x14300;
	s23 =	simm.s32 $0xFFFF7000;
	[sflag:s12] =	ssyncadd.s32 $0xFFFFC000  }
.LBB2_4:
0x63: {  	[tilespmem:s17], [sflag:$0x2] =	stream.indirect.gather [hbm4b:s4+s14], $0x80, s24, s14, $0xb8;
	[tilespmem:$0x1E800] =	vst v63  }
0x64: {  	s24 =	smov.u32 s23  }
0x65: {  	p0 =	sne.s32 s23, $0xFFFFF800;
	s23 =	sadd.s32 $0x800, s23;
	_ =	swait.ge [sflag:s18], $0x4000  }
0x66: {  	s24 =	sshra.s32 s24, $0x2;
	[sflag:s18] =	ssyncset.done $0x0  }
0x67: {  	s25 =	sadd.s32 $0x16680, s24;
	[sflag:s18] =	ssyncadd.s32 $0xFFFFC000  }
0x68: {  	[spmem:s2] =	stream.indirect.scatter.add.f32 [tilespmem:s15], [sflag:$0x3], $0x80, s25, s14, $0xb8;
	[tilespmem:$0x1E800] =	vst v63  }
0x69: {  	_ =	swait.ge [sflag:s12], $0x4000  }
0x6a: {  	[sflag:s12] =	ssyncset.done $0x0  }
0x6b: {  	s25 =	sadd.s32 $0x16800, s24;
	[sflag:s12] =	ssyncadd.s32 $0xFFFFC000  }
0x6c: {  	[tilespmem:s15], [sflag:$0x1] =	stream.indirect.gather [hbm4b:s4+s14], $0x80, s25, s14, $0xb8;
	[tilespmem:$0x1E800] =	vst v63  }
0x6d: {  	_ =	swait.ge [sflag:s19], $0x4000  }
0x6e: {  	[sflag:s19] =	ssyncset.done $0x0  }
.Ltmp1:
0x6f: {  	s25 =	sadd.s32 $0x16780, s24;
	[sflag:s19] =	ssyncadd.s32 $0xFFFFC000;
	(pc) =	sbr.rel @p0 .LBB2_4-.Ltmp1, $4  }
0x70: {  	[spmem:s2] =	stream.indirect.scatter.add.f32 [tilespmem:s17], [sflag:$0x3], $0x80, s25, s14, $0xb8;
	[tilespmem:$0x1E800] =	vst v63  }
0x71: {  	_ =	swait.ge [sflag:s12], $0x4000  }
0x72: {  	[sflag:s12] =	ssyncset.done $0x0  }
0x73: {  	s24 =	sadd.s32 $0x16900, s24;
	[sflag:s12] =	ssyncadd.s32 $0xFFFFC000  }
0x74: {  	[tilespmem:s17], [sflag:$0x2] =	stream.indirect.gather [hbm4b:s4+s14], $0x80, s24, s14, $0xb8;
	[tilespmem:$0x1E800] =	vst v63  }
0x75: {  	_ =	swait.ge [sflag:s18], $0x4000  }
0x76: {  	[sflag:s18] =	ssyncset.done $0x0  }
0x77: {  	[sflag:s18] =	ssyncadd.s32 $0xFFFFC000  }
0x78: {  	[spmem:s2] =	stream.indirect.scatter.add.f32 [tilespmem:s15], [sflag:$0x3], $0x80, s20, s14, $0xb8;
	[tilespmem:$0x1E800] =	vst v63  }
0x79: {  	_ =	swait.ge [sflag:s12], $0x4000  }
0x7a: {  	[sflag:s12] =	ssyncset.done $0x0  }
0x7b: {  	[sflag:s12] =	ssyncadd.s32 $0xFFFFC000  }
0x7c: {  	_ =	swait.ge [sflag:s19], $0x4000  }
0x7d: {  	[sflag:s19] =	ssyncset.done $0x0  }
0x7e: {  	[sflag:s19] =	ssyncadd.s32 $0xFFFFC000  }
0x7f: {  	[spmem:s2] =	stream.indirect.scatter.add.f32 [tilespmem:s17], [sflag:$0x3], $0x80, s21, s14, $0xb8;
	[tilespmem:$0x1E800] =	vst v63  }
0x80: {  	_ =	swait.ge [sflag:s12], $0x4000  }
0x81: {  	s22 =	sadd.s32 $0x1, s22;
	[sflag:s12] =	ssyncset.done $0x0  }
0x82: {  	p0 =	sne.s32 s22, s10;
	[sflag:s12] =	ssyncadd.s32 $0xFFFFC000  }
.Ltmp2:
0x83: {  	[bflag:$0x0] =	sbarrier.arrive $0xFFFF;
	(pc) =	sbr.rel @p0 .LBB2_1-.Ltmp2, $4  }
0x84: {  	[hbm:s9], [sflag:s6] =	dma.local [spmem:s11], $0x2800  }
0x85: {  	_ =	swait.ge [sflag:s12], $0x2800  }
0x86: {  	[sflag:s12] =	ssyncset.done $0x0  }
0x87: {  	[sflag:s12] =	ssyncadd.s32 $0xFFFFD800  }
0x88: {  	_ =	sfence.sel $0x180000  }
0x89: {  	[bflag:$0x0] =	sbarrier.arrive $0xFFFF  }
0x8a: {  	p0 =	sne.s32 s1, $0x0;
	_ =	strace $0x9000004A  }
0x8b: {  	s0 =	sadd.s32 @!p0 $0x100000, s0;
	[bflag:$0x2] =	sbarrier.arrive $0xFFFF  }
0x8c: {  	[sflag:s0] =	ssyncadd.tile.s32 @!p0 $0x1;
	_ =	shalt  }
.Lfunc_end2:
_tile_overlayer_lowered:
.L_overlay_start_2:
0x8d: {  	(tag) =	ssettag $0x2  }
0x8e: {  	s0 =	rddreg [dreg:$0x0];
	s2 =	stileid.u32  }
0x8f: {  	s1 =	rddreg [dreg:$0x1];
	p0 =	sne.s32 s2, $0x0  }
0x90: {  	s3 =	rddreg [dreg:$0x2];
	[bflag:$0x3] =	sbarrier.arrive $0xFFFF;
	s2 =	simm.s32 @!p0 $0x1C03  }
0x91: {  	[timem:s3], [sflag:s2] =	dma.local @!p0 [hbm:s0], s1  }
0x92: {  	s0 =	simm.s32 @!p0 $0x3  }
0x93: {  	_ =	swait.ge @!p0 [sflag:s0], s1  }
0x94: {  	s1 =	ssub.s32 @!p0 $0x0, s1;
	[sflag:s0] =	ssyncset.done @!p0 $0x0  }
0x95: {  	[sflag:s0] =	ssyncadd.s32 @!p0 s1  }
0x96: {  	[bflag:$0x3] =	sbarrier.arrive $0xFFFF  }
0x97: {  	_ =	shalt  }

// kernel: kernel.7.cloned.1.call-start
scs
__scs_entry_jumppad:
0x0: {  	(pc) =	sbr.rel $0x88, $3  }
0x1: {  	(tag) =	ssettag $0x0;
	lr =	simm.s32 $0x1  }
0x2: {  	[smem:$0x3F99] =	sst lr;
	_ =	strace $0xD0000000  }
0x3: {  	_ = 	snop  }
0x4: {  	_ = 	snop  }
0x5: {  	_ = 	snop  }
0x6: {  	_ = 	snop  }
0x7: {  	_ = 	snop  }
__scs_overlays_trampoline_lowered:
0x8: {  	[smem:$0x3FA8] =	sst s0  }
0x9: {  	[smem:$0x3FA9] =	sst s1  }
0xa: {  	[smem:$0x3FAA] =	sst s2  }
0xb: {  	[smem:$0x3FAB] =	sst s3  }
0xc: {  	[smem:$0x3FAC] =	sst s4  }
0xd: {  	[smem:$0x3FAD] =	sst s5  }
0xe: {  	[smem:$0x3FAE] =	sst s6  }
0xf: {  	[smem:$0x3FAF] =	sst s7  }
0x10: {  	[smem:$0x3FB0] =	sst s8  }
0x11: {  	[smem:$0x3FB1] =	sst s9;
	s0 =	simm.s32 @!p0 $0x0  }
0x12: {  	s1 =	sld [smem:$0x3F97];
	s0 =	simm.s32 @p0 $0x1  }
0x13: {  	[smem:$0x3FB2] =	sst s0;
	s0 =	simm.s32 @!p1 $0x0  }
0x14: {  	s2 =	sld [smem:$0x3F96];
	s0 =	simm.s32 @p1 $0x1  }
0x15: {  	[smem:$0x3FB3] =	sst s0;
	s0 =	simm.s32 @!p2 $0x0  }
0x16: {  	s3 =	sld [smem:$0x3FDB];
	s0 =	simm.s32 @p2 $0x1  }
0x17: {  	s4 =	simm.s32 $0x1BF5;
	[smem:$0x3FB5] =	sst s0  }
0x18: {  	s0 =	sld [smem:$0x3F98];
	_ =	swait.ge [sflag:s4], $0x0  }
0x19: {  	s7 =	sld [smem:$0x3F99]  }
0x1a: {  	s8 =	sadd.s32 $0xFFFFE003, lr  }
0x1b: {  	s9 =	sadd.s32 $0xFFFFFEF7, lr;
	s5 =	simm.s32 $0xFFFFFFFF;
	p2 =	slt.u32 s8, $0xFFFFF086  }
0x1c: {  	p1 =	slt.u32 s9, $0xF7A;
	s5 =	simm.s32 @!p2 $0x0  }
0x1d: {  	s5 =	simm.s32 @p1 $0x1;
	p0 =	seq.s32 s7, s2  }
0x1e: {  	s7 =	smul.u32 @!p0 $0xF7A, s2;
	p2 =	seq.s32 @!p0 s5, $0x0  }
0x1f: {  	s9 =	smul.u32 $0xF7A, s1;
	s8 =	simm.s32 @!p0 $0x1BF5;
	p2 =	por !p2, p0  }
0x20: {  	[sflag:s8] =	ssyncset.s32 @!p0 $0xFFFFF086;
	s6 =	sadd.s32 @!p0 s3, s7;
	s7 =	simm.s32 @!p0 $0x108  }
0x21: {  	s3 =	sadd.s32 s3, s9;
	s6 =	sadd.s32 @!p0 $0x88, s6;
	s7 =	simm.s32 @p2 $0x1082  }
0x22: {  	[simem:s7], [sflag:s8] =	dma.local @!p0 [hbm:s6], $0xF7A  }
0x23: {  	s9 =	sor.u32 $0xD0000000, s2;
	s6 =	simm.s32 $0x108;
	_ =	swait.ge @!p0 [sflag:s8], $0x0  }
0x24: {  	s3 =	sadd.s32 $0x88, s3;
	s6 =	simm.s32 @!p1 $0x1082;
	[sflag:s4] =	ssyncset.s32 $0xFFFFF086  }
0x25: {  	[simem:s6], [sflag:s4] =	dma.local [hbm:s3], $0xF7A  }
0x26: {  	[smem:$0x3F99] =	sst s1;
	(tag) =	ssettag s2;
	_ =	strace s9  }
0x27: {  	s1 =	sld [smem:$0x3FA9]  }
0x28: {  	s2 =	sld [smem:$0x3FAA]  }
0x29: {  	s4 =	sld [smem:$0x3FAC]  }
0x2a: {  	p0 =	seq.s32 s5, $0x0;
	s5 =	sld [smem:$0x3FAD]  }
0x2b: {  	s6 =	sld [smem:$0x3FAE]  }
0x2c: {  	s7 =	sld [smem:$0x3FAF]  }
0x2d: {  	s3 =	simm.s32 $0x108;
	s8 =	sld [smem:$0x3FB0]  }
0x2e: {  	s3 =	simm.s32 @!p0 $0x1082;
	s9 =	sld [smem:$0x3FB1]  }
0x2f: {  	lr =	sadd.s32 s0, s3;
	s0 =	sld [smem:$0x3FA8]  }
0x30: {  	s3 =	sld [smem:$0x3FAB]  }
0x31: {  	[smem:$0x3FB4] =	sst s10  }
0x32: {  	s10 =	sld [smem:$0x3FB2];
	_ =	sdelay $0x3  }
0x33: {  	p0 =	seq.s32 s10, $0x1;
	s10 =	sld [smem:$0x3FB4];
	_ =	sdelay $0x3  }
0x34: {  	[smem:$0x3FB4] =	sst s10  }
0x35: {  	s10 =	sld [smem:$0x3FB3];
	_ =	sdelay $0x3  }
0x36: {  	p1 =	seq.s32 s10, $0x1;
	s10 =	sld [smem:$0x3FB4];
	_ =	sdelay $0x3  }
0x37: {  	[smem:$0x3FB4] =	sst s10  }
0x38: {  	s10 =	sld [smem:$0x3FB5]  }
0x39: {  	_ = 	snop;
	(pc) =	sbr.ind lr, $3  }
0x3a: {  	_ = 	snop  }
0x3b: {  	_ = 	snop  }
0x3c: {  	p2 =	seq.s32 s10, $0x1;
	s10 =	sld [smem:$0x3FB4]  }
0x3d: {  	_ =	shalt  }
0x3e: {  	_ =	shalt  }
0x3f: {  	_ =	shalt  }
0x40: {  	_ =	shalt  }
0x41: {  	_ =	shalt  }
0x42: {  	_ =	shalt  }
0x43: {  	_ =	shalt  }
0x44: {  	_ =	shalt  }
0x45: {  	_ =	shalt  }
0x46: {  	_ =	shalt  }
0x47: {  	_ =	shalt  }
0x48: {  	_ =	shalt  }
0x49: {  	_ =	shalt  }
0x4a: {  	_ =	shalt  }
0x4b: {  	_ =	shalt  }
0x4c: {  	_ =	shalt  }
0x4d: {  	_ =	shalt  }
0x4e: {  	_ =	shalt  }
0x4f: {  	_ =	shalt  }
0x50: {  	_ =	shalt  }
0x51: {  	_ =	shalt  }
0x52: {  	_ =	shalt  }
0x53: {  	_ =	shalt  }
0x54: {  	_ =	shalt  }
0x55: {  	_ =	shalt  }
0x56: {  	_ =	shalt  }
0x57: {  	_ =	shalt  }
0x58: {  	_ =	shalt  }
0x59: {  	_ =	shalt  }
0x5a: {  	_ =	shalt  }
0x5b: {  	_ =	shalt  }
0x5c: {  	_ =	shalt  }
0x5d: {  	_ =	shalt  }
0x5e: {  	_ =	shalt  }
0x5f: {  	_ =	shalt  }
0x60: {  	_ =	shalt  }
0x61: {  	_ =	shalt  }
0x62: {  	_ =	shalt  }
0x63: {  	_ =	shalt  }
0x64: {  	_ =	shalt  }
0x65: {  	_ =	shalt  }
0x66: {  	_ =	shalt  }
0x67: {  	_ =	shalt  }
0x68: {  	_ =	shalt  }
0x69: {  	_ =	shalt  }
0x6a: {  	_ =	shalt  }
0x6b: {  	_ =	shalt  }
0x6c: {  	_ =	shalt  }
0x6d: {  	_ =	shalt  }
0x6e: {  	_ =	shalt  }
0x6f: {  	_ =	shalt  }
0x70: {  	_ =	shalt  }
0x71: {  	_ =	shalt  }
0x72: {  	_ =	shalt  }
0x73: {  	_ =	shalt  }
0x74: {  	_ =	shalt  }
0x75: {  	_ =	shalt  }
0x76: {  	_ =	shalt  }
0x77: {  	_ =	shalt  }
0x78: {  	_ =	shalt  }
0x79: {  	_ =	shalt  }
0x7a: {  	_ =	shalt  }
0x7b: {  	_ =	shalt  }
0x7c: {  	_ =	shalt  }
0x7d: {  	_ =	shalt  }
0x7e: {  	_ =	shalt  }
0x7f: {  	_ =	shalt  }
0x80: {  	_ =	shalt  }
0x81: {  	_ =	shalt  }
0x82: {  	_ =	shalt  }
0x83: {  	_ =	shalt  }
0x84: {  	_ =	shalt  }
0x85: {  	_ =	shalt  }
0x86: {  	_ =	shalt  }
0x87: {  	_ =	shalt  }
.Lfunc_end0:
.L_simem_size_0:
called_computation_lowered:
.L_overlay_start_0:
0x88: {  	s2 =	sld [smem:$0x3FD9]  }
0x89: {  	s3 =	sld [smem:$0x3FFE];
	_ =	sdelay $0x1  }
0x8a: {  	s1 =	srdreg.scid  }
0x8b: {  	s0 =	sand.u32 $0x1, s1  }
0x8c: {  	s17 =	sshll.u32 s0, $0xA;
	s2 =	sadd.s32 s3, s2  }
0x8d: {  	s2 =	sadd.s32 s2, s17  }
0x8e: {  	[smem:$0x3FC0] =	sst s2  }
0x8f: {  	_ = 	snop  }
0x90: {  	s2 =	sld [smem:$0x3FD0];
	(tm) =	ssettm $0x1  }
0x91: {  	s18 =	sld [smem:$0x3FFB];
	_ =	sdelay $0x3  }
0x92: {  	_ =	strace s18  }
0x93: {  	s3 =	sld [smem:$0x3FFC];
	_ =	sdelay $0x3  }
0x94: {  	_ =	strace s3  }
0x95: {  	s3 =	sld [smem:$0x3FFD];
	_ =	sdelay $0x3  }
0x96: {  	_ =	strace s3  }
0x97: {  	_ =	strace $0x8FFFFFFF  }
0x98: {  	s19 =	sld [smem:$0x3FDB];
	_ =	sdelay $0x1  }
0x99: {  	s4 =	simm.s32 $_scs_section_size  }
0x9a: {  	s5 =	simm.s32 $_size__tile_overlayer_lowered;
	s6 =	simm.s32 $_tile_overlayer_lowered  }
0x9b: {  	s22 =	simm.s32 $0x1BFF;
	s21 =	sshll.u32 s6, $0x1;
	s3 =	sadd.s32 s4, s19  }
0x9c: {  	s7 =	simm.s32 $0x0;
	s20 =	sshll.u32 s5, $0x1;
	s5 =	sadd.s32 s21, s3  }
0x9d: {  	[timem:s7], [sflag:s22] =	dma.local [hbm:s5], s20  }
0x9e: {  	_ =	swait.ge [sflag:s22], s20  }
0x9f: {  	s4 =	ssub.s32 $0x0, s20;
	[sflag:s22] =	ssyncset.done $0x0  }
0xa0: {  	[sflag:s22] =	ssyncadd.s32 s4;
	_ =	sdelay $0x1  }
0xa1: {  	s23 =	simm.s32 $0x1B8B  }
0xa2: {  	_ =	swait.ge [sflag:s23], $0x1  }
0xa3: {  	[sflag:s23] =	ssyncset.done $0x0  }
0xa4: {  	s25 =	simm.s32 $0x1B8E;
	s24 =	sld [smem:$0x3FFE];
	[sflag:s23] =	ssyncadd.s32 $0xFFFFFFFF  }
0xa5: {  	s26 =	simm.s32 $execute0_lowered;
	[smem:$0x3FD2] =	sst s25  }
0xa6: {  	s5 =	sshll.u32 s26, $0x1;
	_ =	strace $0x80000046;
	[dreg:$0x1] =	wrdreg $0xFFFFFFFF  }
0xa7: {  	s28 =	simm.s32 $_size_execute0_lowered;
	s3 =	sadd.s32 s3, s5;
	[dreg:$0x0] =	wrdreg $0x0  }
0xa8: {  	s5 =	sshll.u32 s28, $0x1;
	[dreg:$0x2] =	wrdreg s3  }
0xa9: {  	[dreg:$0x3] =	wrdreg s5  }
0xaa: {  	[dreg:$0x4] =	wrdreg $0xC0  }
0xab: {  	_ =	task [dreg:s7], $0x5FFFF  }
0xac: {  	[dreg:$0x1] =	wrdreg $0xFFFFFFFF  }
0xad: {  	[dreg:$0x0] =	wrdreg $0x60  }
0xae: {  	[dreg:$0x2] =	wrdreg s24  }
0xaf: {  	[dreg:$0x3] =	wrdreg s2  }
0xb0: {  	[dreg:$0x4] =	wrdreg $0x0  }
0xb1: {  	[dreg:$0x5] =	wrdreg $0x1E8000  }
0xb2: {  	[dreg:$0x6] =	wrdreg $0x9  }
0xb3: {  	_ =	task.clear_ibuf [dreg:s7], $0x7FFFF;
	_ =	strace $0x90000046  }
0xb4: {  	s29 =	simm.s32 $0x9;
	_ =	strace $0x80000048  }
0xb5: {  	_ =	swait.ge [sflag:s29], $0x1  }
0xb6: {  	[sflag:s29] =	ssyncadd.s32 $0xFFFFFFFF  }
0xb7: {  	_ =	strace $0x90000048  }
0xb8: {  	_ =	sfence  }
0xb9: {  	s30 =	sld [smem:$0x0];
	_ =	sdelay $0x2  }
0xba: {  	s31 =	sshll.u32 s1, $0xD;
	s1 =	sshrl.u32 s1, $0x2  }
0xbb: {  	s3 =	sand.u32 $0x4000, s31;
	s1 =	sadd.s32 s1, s30  }
0xbc: {  	s0 =	sor.u32 s3, s0;
	s1 =	sshll.u32 s1, $0x11  }
0xbd: {  	s0 =	sor.u32 s1, s0  }
0xbe: {  	s0 =	sadd.s32 $0x8F2B, s0  }
0xbf: {  	[sflag:s0] =	ssyncadd.remote.s32 $0x1  }
0xc0: {  	_ =	sfence.sel $0xFFFF  }
0xc1: {  	[dreg:$0x0] =	wrdreg $0xFFFFFFFF;
	(pc) =	sbr.abs _section_cstart, $3  }
0xc2: {  	[dreg:$0x1] =	wrdreg $0xFFFFFFFF  }
0xc3: {  	_ =	task.clear_ibuf [dreg:s7], $0x2FFFF;
	_ =	strace $0x9FFFFFFF  }
0xc4: {  	(tm) =	ssettm $0x7FFFFFFF  }
0xc5: {  	_ =	shalt  }
tec
execute0_lowered:
.L_overlay_start_1:
0x0: {  	(tag) =	ssettag $0x1  }
0x1: {  	s0 =	rddreg [dreg:$0x0]  }
0x2: {  	s9 =	rddreg [dreg:$0x1]  }
0x3: {  	s1 =	rddreg [dreg:$0x2]  }
0x4: {  	s2 =	rddreg [dreg:$0x3]  }
0x5: {  	s3 =	srdreg.scid;
	s4 =	simm.s32 $0x0;
	s20 =	stileid.u32  }
0x6: {  	s18 =	simm.s32 $0x80;
	s19 =	simm.s32 $0x16800;
	s7 =	smul.u32 $0x14000, s20  }
0x7: {  	s28 =	simm.s32 $0x20;
	s29 =	simm.s32 $0x10;
	s10 =	smul.u32 $0x500, s20  }
0x8: {  	s30 =	simm.s32 $0x0;
	s8 =	sand.u32 $0x1, s3;
	s23 =	smul.u32 $0x50000, s20  }
0x9: {  	[smem:$0x7FF] =	sst s4;
	s5 =	sadd.s32 $0x2400, s0;
	s13 =	smul.u32 $0xA00, s20  }
0xa: {  	s24 =	sshll.u32 s20, $0x6;
	s6 =	smul.u32 $0x140000, s8;
	_ =	strace $0x80000047  }
0xb: {  	s11 =	sshll.u32 s8, $0x7;
	s22 =	sshll.u32 s8, $0x4;
	s8 =	ssub.s32 $0x2, s8  }
0xc: {  	s10 =	sor.u32 s11, s10;
	s14 =	sshrl.u32 s8, $0x1;
	s25 =	sshrl.u32 s13, $0x2  }
0xd: {  	s7 =	sadd.s32 s7, s6;
	s6 =	sadd.s32 $0x2A600, s0;
	s10 =	sshrl.u32 s10, $0x3  }
0xe: {  	s14 =	ssub.s32 s8, s14;
	s8 =	sor.u32 $0x1C03, s24;
	s17 =	sadd.s32 s25, s2  }
0xf: {  	s24 =	simm.s32 $0x2;
	s25 =	simm.s32 $0x16680;
	s12 =	sshrl.u32 s7, $0x3  }
0x10: {  	s7 =	sadd.s32 $0x2A400, s0;
	s13 =	smax.u32 s14, $0x1;
	s21 =	sadd.s32 s12, s0  }
0x11: {  	s0 =	sadd.s32 s10, s0;
	s10 =	sor.u32 s20, s22;
	s12 =	sshrl.u32 s23, $0x2  }
0x12: {  	s20 =	simm.s32 $0x14100;
	s22 =	simm.s32 $0x1;
	s15 =	smul.u32 $0x5000, s10  }
0x13: {  	s23 =	simm.s32 $0x1EA80;
	s16 =	sadd.s32 s12, s1;
	s10 =	smul.u32 $0xA00, s10  }
0x14: {  	s11 =	sadd.s32 $0x2D800, s21;
	s12 =	sadd.s32 $0x2CE00, s0;
	s21 =	simm.s32 $0x1A800  }
0x15: {  	s14 =	sshrl.u32 s16, $0x3;
	s16 =	sshrl.u32 s17, $0x3;
	s26 =	sshrl.u32 s15, $0x3  }
0x16: {  	s17 =	simm.s32 $0x14000;
	s15 =	simm.s32 $0x3;
	s31 =	sadd.s32 s9, s26  }
0x17: {  	v0 =	vimm.f32 $1.000000000e+00;
	s9 =	sadd.s32 s9, s10;
	s26 =	simm.s32 $0x16780;
	s10 =	sadd.s32 $0x500, s31  }
.LBB2_1:
0x18: {  	[spmem:s14], [sflag:s8] =	dma.local [hbm:s6], $0x2800  }
0x19: {  	_ =	swait.ge [sflag:s15], $0x2800  }
0x1a: {  	[sflag:s15] =	ssyncset.done $0x0  }
0x1b: {  	[sflag:s15] =	ssyncadd.s32 $0xFFFFD800  }
0x1c: {  	[spmem:s16], [sflag:s8] =	dma.local [hbm:s7], $0x50  }
0x1d: {  	_ =	swait.ge [sflag:s15], $0x50  }
0x1e: {  	[sflag:s15] =	ssyncset.done $0x0  }
0x1f: {  	[sflag:s15] =	ssyncadd.s32 $0xFFFFFFB0  }
0x20: {  	[tilespmem:$0x1EA80] =	vst v0  }
0x21: {  	[tilespmem:$0x1EA90] =	vst v0  }
0x22: {  	[tilespmem:$0x1EAA0] =	vst v0  }
0x23: {  	[tilespmem:$0x1EAB0] =	vst v0  }
0x24: {  	[tilespmem:$0x1EAC0] =	vst v0  }
0x25: {  	[tilespmem:$0x1EAD0] =	vst v0  }
0x26: {  	[tilespmem:$0x1EAE0] =	vst v0  }
0x27: {  	[tilespmem:$0x1EAF0] =	vst v0  }
0x28: {  	[bflag:$0x0] =	sbarrier.arrive $0xFFFF  }
0x29: {  	[tilespmem:s17], [sflag:$0x3] =	stream.linear.gather [hbm4b:s9+s4], $0x2800, $0x38;
	[tilespmem:$0x1EB00] =	vst v63  }
0x2a: {  	_ =	swait.ge [sflag:s15], $0x2800  }
0x2b: {  	[sflag:s15] =	ssyncset.done $0x0  }
0x2c: {  	[sflag:s15] =	ssyncadd.s32 $0xFFFFD800  }
0x2d: {  	[tilespmem:s19], [sflag:$0x1] =	stream.indirect.gather [hbm4b:s5+s18], $0x80, s17, s18, $0xb8;
	[tilespmem:$0x1EB00] =	vst v63  }
0x2e: {  	_ = 	snop  }
0x2f: {  	[tilespmem:s21], [sflag:$0x2] =	stream.indirect.gather [hbm4b:s5+s18], $0x80, s20, s18, $0xb8;
	[tilespmem:$0x1EB00] =	vst v63  }
0x30: {  	_ =	swait.ge [sflag:s22], $0x4000  }
0x31: {  	[sflag:s22] =	ssyncset.done $0x0  }
0x32: {  	s0 =	simm.s32 $0x14080;
	[sflag:s22] =	ssyncadd.s32 $0xFFFFC000  }
0x33: {  	[spmem:s1] =	stream.indirect.scatter.add.f32 [tilespmem:s19], [sflag:$0x3], $0x80, s0, s18, $0xb8;
	[tilespmem:$0x1EB00] =	vst v63  }
0x34: {  	_ =	swait.ge [sflag:s15], $0x4000  }
0x35: {  	[sflag:s15] =	ssyncset.done $0x0  }
0x36: {  	[sflag:s15] =	ssyncadd.s32 $0xFFFFC000  }
0x37: {  	[spmem:s2] =	stream.indirect.scatter.add.f32 [tilespmem:s23], [sflag:$0x3], $0x1, s0, s18, $0xb8;
	[tilespmem:$0x1EB00] =	vst v63  }
0x38: {  	_ =	swait.ge [sflag:s15], $0x80  }
0x39: {  	[sflag:s15] =	ssyncset.done $0x0  }
0x3a: {  	s3 =	simm.s32 $0x14200;
	[sflag:s15] =	ssyncadd.s32 $0xFFFFFF80  }
0x3b: {  	[tilespmem:s19], [sflag:$0x1] =	stream.indirect.gather [hbm4b:s5+s18], $0x80, s3, s18, $0xb8;
	[tilespmem:$0x1EB00] =	vst v63  }
0x3c: {  	_ =	swait.ge [sflag:s24], $0x4000  }
0x3d: {  	[sflag:s24] =	ssyncset.done $0x0  }
0x3e: {  	s3 =	simm.s32 $0x14180;
	[sflag:s24] =	ssyncadd.s32 $0xFFFFC000  }
0x3f: {  	[spmem:s1] =	stream.indirect.scatter.add.f32 [tilespmem:s21], [sflag:$0x3], $0x80, s3, s18, $0xb8;
	[tilespmem:$0x1EB00] =	vst v63  }
0x40: {  	_ =	swait.ge [sflag:s15], $0x4000  }
0x41: {  	[sflag:s15] =	ssyncset.done $0x0  }
0x42: {  	[sflag:s15] =	ssyncadd.s32 $0xFFFFC000  }
0x43: {  	[spmem:s2] =	stream.indirect.scatter.add.f32 [tilespmem:s23], [sflag:$0x3], $0x1, s3, s18, $0xb8;
	[tilespmem:$0x1EB00] =	vst v63  }
0x44: {  	_ =	swait.ge [sflag:s15], $0x80  }
0x45: {  	[sflag:s15] =	ssyncset.done $0x0  }
0x46: {  	s31 =	simm.s32 $0xFFFF7000;
	s0 =	simm.s32 $0x14300;
	[sflag:s15] =	ssyncadd.s32 $0xFFFFFF80  }
.LBB2_2:
0x47: {  	[tilespmem:s21], [sflag:$0x2] =	stream.indirect.gather [hbm4b:s5+s18], $0x80, s0, s18, $0xb8;
	[tilespmem:$0x1EB00] =	vst v63  }
0x48: {  	s0 =	smov.u32 s31  }
0x49: {  	p0 =	sne.s32 s31, $0xFFFFF800;
	s31 =	sadd.s32 $0x800, s31;
	_ =	swait.ge [sflag:s22], $0x4000  }
0x4a: {  	s0 =	sshra.s32 s0, $0x2;
	[sflag:s22] =	ssyncset.done $0x0  }
0x4b: {  	s3 =	sadd.s32 $0x16680, s0;
	[sflag:s22] =	ssyncadd.s32 $0xFFFFC000  }
0x4c: {  	[spmem:s1] =	stream.indirect.scatter.add.f32 [tilespmem:s19], [sflag:$0x3], $0x80, s3, s18, $0xb8;
	[tilespmem:$0x1EB00] =	vst v63  }
0x4d: {  	_ =	swait.ge [sflag:s15], $0x4000  }
0x4e: {  	[sflag:s15] =	ssyncset.done $0x0  }
0x4f: {  	[sflag:s15] =	ssyncadd.s32 $0xFFFFC000  }
0x50: {  	[spmem:s2] =	stream.indirect.scatter.add.f32 [tilespmem:s23], [sflag:$0x3], $0x1, s3, s18, $0xb8;
	[tilespmem:$0x1EB00] =	vst v63  }
0x51: {  	_ =	swait.ge [sflag:s15], $0x80  }
0x52: {  	[sflag:s15] =	ssyncset.done $0x0  }
0x53: {  	s3 =	sadd.s32 $0x16800, s0;
	[sflag:s15] =	ssyncadd.s32 $0xFFFFFF80  }
0x54: {  	[tilespmem:s19], [sflag:$0x1] =	stream.indirect.gather [hbm4b:s5+s18], $0x80, s3, s18, $0xb8;
	[tilespmem:$0x1EB00] =	vst v63  }
0x55: {  	_ =	swait.ge [sflag:s24], $0x4000  }
0x56: {  	[sflag:s24] =	ssyncset.done $0x0  }
0x57: {  	s3 =	sadd.s32 $0x16780, s0;
	[sflag:s24] =	ssyncadd.s32 $0xFFFFC000  }
0x58: {  	[spmem:s1] =	stream.indirect.scatter.add.f32 [tilespmem:s21], [sflag:$0x3], $0x80, s3, s18, $0xb8;
	[tilespmem:$0x1EB00] =	vst v63  }
0x59: {  	_ =	swait.ge [sflag:s15], $0x4000  }
0x5a: {  	[sflag:s15] =	ssyncset.done $0x0  }
.Ltmp0:
0x5b: {  	[sflag:s15] =	ssyncadd.s32 $0xFFFFC000;
	(pc) =	sbr.rel @p0 .LBB2_2-.Ltmp0, $4  }
0x5c: {  	[spmem:s2] =	stream.indirect.scatter.add.f32 [tilespmem:s23], [sflag:$0x3], $0x1, s3, s18, $0xb8;
	[tilespmem:$0x1EB00] =	vst v63  }
0x5d: {  	_ =	swait.ge [sflag:s15], $0x80  }
0x5e: {  	[sflag:s15] =	ssyncset.done $0x0  }
0x5f: {  	s0 =	sadd.s32 $0x16900, s0;
	[sflag:s15] =	ssyncadd.s32 $0xFFFFFF80  }
0x60: {  	[tilespmem:s21], [sflag:$0x2] =	stream.indirect.gather [hbm4b:s5+s18], $0x80, s0, s18, $0xb8;
	[tilespmem:$0x1EB00] =	vst v63  }
0x61: {  	_ =	swait.ge [sflag:s22], $0x4000  }
0x62: {  	[sflag:s22] =	ssyncset.done $0x0  }
0x63: {  	[sflag:s22] =	ssyncadd.s32 $0xFFFFC000  }
0x64: {  	[spmem:s1] =	stream.indirect.scatter.add.f32 [tilespmem:s19], [sflag:$0x3], $0x80, s25, s18, $0xb8;
	[tilespmem:$0x1EB00] =	vst v63  }
0x65: {  	_ =	swait.ge [sflag:s15], $0x4000  }
0x66: {  	[sflag:s15] =	ssyncset.done $0x0  }
0x67: {  	[sflag:s15] =	ssyncadd.s32 $0xFFFFC000  }
0x68: {  	[spmem:s2] =	stream.indirect.scatter.add.f32 [tilespmem:s23], [sflag:$0x3], $0x1, s25, s18, $0xb8;
	[tilespmem:$0x1EB00] =	vst v63  }
0x69: {  	_ =	swait.ge [sflag:s15], $0x80  }
0x6a: {  	[sflag:s15] =	ssyncset.done $0x0  }
0x6b: {  	[sflag:s15] =	ssyncadd.s32 $0xFFFFFF80  }
0x6c: {  	_ =	swait.ge [sflag:s24], $0x4000  }
0x6d: {  	[sflag:s24] =	ssyncset.done $0x0  }
0x6e: {  	[sflag:s24] =	ssyncadd.s32 $0xFFFFC000  }
0x6f: {  	[spmem:s1] =	stream.indirect.scatter.add.f32 [tilespmem:s21], [sflag:$0x3], $0x80, s26, s18, $0xb8;
	[tilespmem:$0x1EB00] =	vst v63  }
0x70: {  	_ =	swait.ge [sflag:s15], $0x4000  }
0x71: {  	[sflag:s15] =	ssyncset.done $0x0  }
0x72: {  	[sflag:s15] =	ssyncadd.s32 $0xFFFFC000  }
0x73: {  	[spmem:s2] =	stream.indirect.scatter.add.f32 [tilespmem:s23], [sflag:$0x3], $0x1, s26, s18, $0xb8;
	[tilespmem:$0x1EB00] =	vst v63  }
0x74: {  	_ =	swait.ge [sflag:s15], $0x80  }
0x75: {  	[sflag:s15] =	ssyncset.done $0x0  }
0x76: {  	[sflag:s15] =	ssyncadd.s32 $0xFFFFFF80  }
0x77: {  	[tilespmem:s17], [sflag:$0x3] =	stream.linear.gather [hbm4b:s10+s4], $0x2800, $0x38;
	[tilespmem:$0x1EB00] =	vst v63  }
0x78: {  	_ =	swait.ge [sflag:s15], $0x2800  }
0x79: {  	[sflag:s15] =	ssyncset.done $0x0  }
0x7a: {  	[sflag:s15] =	ssyncadd.s32 $0xFFFFD800  }
0x7b: {  	[tilespmem:s19], [sflag:$0x1] =	stream.indirect.gather [hbm4b:s5+s18], $0x80, s17, s18, $0xb8;
	[tilespmem:$0x1EB00] =	vst v63  }
0x7c: {  	_ = 	snop  }
0x7d: {  	[tilespmem:s21], [sflag:$0x2] =	stream.indirect.gather [hbm4b:s5+s18], $0x80, s20, s18, $0xb8;
	[tilespmem:$0x1EB00] =	vst v63  }
0x7e: {  	_ =	swait.ge [sflag:s22], $0x4000  }
0x7f: {  	[sflag:s22] =	ssyncset.done $0x0  }
0x80: {  	s3 =	simm.s32 $0x14080;
	[sflag:s22] =	ssyncadd.s32 $0xFFFFC000  }
0x81: {  	[spmem:s1] =	stream.indirect.scatter.add.f32 [tilespmem:s19], [sflag:$0x3], $0x80, s3, s18, $0xb8;
	[tilespmem:$0x1EB00] =	vst v63  }
0x82: {  	_ =	swait.ge [sflag:s15], $0x4000  }
0x83: {  	[sflag:s15] =	ssyncset.done $0x0  }
0x84: {  	[sflag:s15] =	ssyncadd.s32 $0xFFFFC000  }
0x85: {  	[spmem:s2] =	stream.indirect.scatter.add.f32 [tilespmem:s23], [sflag:$0x3], $0x1, s3, s18, $0xb8;
	[tilespmem:$0x1EB00] =	vst v63  }
0x86: {  	_ =	swait.ge [sflag:s15], $0x80  }
0x87: {  	[sflag:s15] =	ssyncset.done $0x0  }
0x88: {  	s3 =	simm.s32 $0x14200;
	[sflag:s15] =	ssyncadd.s32 $0xFFFFFF80  }
0x89: {  	[tilespmem:s19], [sflag:$0x1] =	stream.indirect.gather [hbm4b:s5+s18], $0x80, s3, s18, $0xb8;
	[tilespmem:$0x1EB00] =	vst v63  }
0x8a: {  	_ =	swait.ge [sflag:s24], $0x4000  }
0x8b: {  	[sflag:s24] =	ssyncset.done $0x0  }
0x8c: {  	s3 =	simm.s32 $0x14180;
	[sflag:s24] =	ssyncadd.s32 $0xFFFFC000  }
0x8d: {  	[spmem:s1] =	stream.indirect.scatter.add.f32 [tilespmem:s21], [sflag:$0x3], $0x80, s3, s18, $0xb8;
	[tilespmem:$0x1EB00] =	vst v63  }
0x8e: {  	_ =	swait.ge [sflag:s15], $0x4000  }
0x8f: {  	[sflag:s15] =	ssyncset.done $0x0  }
0x90: {  	[sflag:s15] =	ssyncadd.s32 $0xFFFFC000  }
0x91: {  	[spmem:s2] =	stream.indirect.scatter.add.f32 [tilespmem:s23], [sflag:$0x3], $0x1, s3, s18, $0xb8;
	[tilespmem:$0x1EB00] =	vst v63  }
0x92: {  	_ =	swait.ge [sflag:s15], $0x80  }
0x93: {  	[sflag:s15] =	ssyncset.done $0x0  }
0x94: {  	s31 =	simm.s32 $0xFFFF7000;
	s0 =	simm.s32 $0x14300;
	[sflag:s15] =	ssyncadd.s32 $0xFFFFFF80  }
.LBB2_4:
0x95: {  	[tilespmem:s21], [sflag:$0x2] =	stream.indirect.gather [hbm4b:s5+s18], $0x80, s0, s18, $0xb8;
	[tilespmem:$0x1EB00] =	vst v63  }
0x96: {  	s0 =	smov.u32 s31  }
0x97: {  	p0 =	sne.s32 s31, $0xFFFFF800;
	s31 =	sadd.s32 $0x800, s31;
	_ =	swait.ge [sflag:s22], $0x4000  }
0x98: {  	s0 =	sshra.s32 s0, $0x2;
	[sflag:s22] =	ssyncset.done $0x0  }
0x99: {  	s3 =	sadd.s32 $0x16680, s0;
	[sflag:s22] =	ssyncadd.s32 $0xFFFFC000  }
0x9a: {  	[spmem:s1] =	stream.indirect.scatter.add.f32 [tilespmem:s19], [sflag:$0x3], $0x80, s3, s18, $0xb8;
	[tilespmem:$0x1EB00] =	vst v63  }
0x9b: {  	_ =	swait.ge [sflag:s15], $0x4000  }
0x9c: {  	[sflag:s15] =	ssyncset.done $0x0  }
0x9d: {  	[sflag:s15] =	ssyncadd.s32 $0xFFFFC000  }
0x9e: {  	[spmem:s2] =	stream.indirect.scatter.add.f32 [tilespmem:s23], [sflag:$0x3], $0x1, s3, s18, $0xb8;
	[tilespmem:$0x1EB00] =	vst v63  }
0x9f: {  	_ =	swait.ge [sflag:s15], $0x80  }
0xa0: {  	[sflag:s15] =	ssyncset.done $0x0  }
0xa1: {  	s3 =	sadd.s32 $0x16800, s0;
	[sflag:s15] =	ssyncadd.s32 $0xFFFFFF80  }
0xa2: {  	[tilespmem:s19], [sflag:$0x1] =	stream.indirect.gather [hbm4b:s5+s18], $0x80, s3, s18, $0xb8;
	[tilespmem:$0x1EB00] =	vst v63  }
0xa3: {  	_ =	swait.ge [sflag:s24], $0x4000  }
0xa4: {  	[sflag:s24] =	ssyncset.done $0x0  }
0xa5: {  	s3 =	sadd.s32 $0x16780, s0;
	[sflag:s24] =	ssyncadd.s32 $0xFFFFC000  }
0xa6: {  	[spmem:s1] =	stream.indirect.scatter.add.f32 [tilespmem:s21], [sflag:$0x3], $0x80, s3, s18, $0xb8;
	[tilespmem:$0x1EB00] =	vst v63  }
0xa7: {  	_ =	swait.ge [sflag:s15], $0x4000  }
0xa8: {  	[sflag:s15] =	ssyncset.done $0x0  }
.Ltmp1:
0xa9: {  	[sflag:s15] =	ssyncadd.s32 $0xFFFFC000;
	(pc) =	sbr.rel @p0 .LBB2_4-.Ltmp1, $4  }
0xaa: {  	[spmem:s2] =	stream.indirect.scatter.add.f32 [tilespmem:s23], [sflag:$0x3], $0x1, s3, s18, $0xb8;
	[tilespmem:$0x1EB00] =	vst v63  }
0xab: {  	_ =	swait.ge [sflag:s15], $0x80  }
0xac: {  	[sflag:s15] =	ssyncset.done $0x0  }
0xad: {  	s0 =	sadd.s32 $0x16900, s0;
	[sflag:s15] =	ssyncadd.s32 $0xFFFFFF80  }
0xae: {  	[tilespmem:s21], [sflag:$0x2] =	stream.indirect.gather [hbm4b:s5+s18], $0x80, s0, s18, $0xb8;
	[tilespmem:$0x1EB00] =	vst v63  }
0xaf: {  	_ =	swait.ge [sflag:s22], $0x4000  }
0xb0: {  	[sflag:s22] =	ssyncset.done $0x0  }
0xb1: {  	[sflag:s22] =	ssyncadd.s32 $0xFFFFC000  }
0xb2: {  	[spmem:s1] =	stream.indirect.scatter.add.f32 [tilespmem:s19], [sflag:$0x3], $0x80, s25, s18, $0xb8;
	[tilespmem:$0x1EB00] =	vst v63  }
0xb3: {  	_ =	swait.ge [sflag:s15], $0x4000  }
0xb4: {  	[sflag:s15] =	ssyncset.done $0x0  }
0xb5: {  	[sflag:s15] =	ssyncadd.s32 $0xFFFFC000  }
0xb6: {  	[spmem:s2] =	stream.indirect.scatter.add.f32 [tilespmem:s23], [sflag:$0x3], $0x1, s25, s18, $0xb8;
	[tilespmem:$0x1EB00] =	vst v63  }
0xb7: {  	_ =	swait.ge [sflag:s15], $0x80  }
0xb8: {  	[sflag:s15] =	ssyncset.done $0x0  }
0xb9: {  	[sflag:s15] =	ssyncadd.s32 $0xFFFFFF80  }
0xba: {  	_ =	swait.ge [sflag:s24], $0x4000  }
0xbb: {  	[sflag:s24] =	ssyncset.done $0x0  }
0xbc: {  	[sflag:s24] =	ssyncadd.s32 $0xFFFFC000  }
0xbd: {  	[spmem:s1] =	stream.indirect.scatter.add.f32 [tilespmem:s21], [sflag:$0x3], $0x80, s26, s18, $0xb8;
	[tilespmem:$0x1EB00] =	vst v63  }
0xbe: {  	_ =	swait.ge [sflag:s15], $0x4000  }
0xbf: {  	[sflag:s15] =	ssyncset.done $0x0  }
0xc0: {  	[sflag:s15] =	ssyncadd.s32 $0xFFFFC000  }
0xc1: {  	[spmem:s2] =	stream.indirect.scatter.add.f32 [tilespmem:s23], [sflag:$0x3], $0x1, s26, s18, $0xb8;
	[tilespmem:$0x1EB00] =	vst v63  }
0xc2: {  	_ =	swait.ge [sflag:s15], $0x80  }
0xc3: {  	[sflag:s15] =	ssyncset.done $0x0  }
0xc4: {  	[sflag:s15] =	ssyncadd.s32 $0xFFFFFF80  }
0xc5: {  	[bflag:$0x0] =	sbarrier.arrive $0xFFFF  }
0xc6: {  	[hbm:s11], [sflag:s8] =	dma.local [spmem:s14], $0x2800  }
0xc7: {  	s30 =	sadd.s32 $0x1, s30;
	_ =	swait.ge [sflag:s15], $0x2800  }
0xc8: {  	p0 =	sne.s32 s30, s13;
	[sflag:s15] =	ssyncset.done $0x0  }
.Ltmp2:
0xc9: {  	[sflag:s15] =	ssyncadd.s32 $0xFFFFD800;
	(pc) =	sbr.rel @p0 .LBB2_1-.Ltmp2, $4  }
0xca: {  	[hbm:s12@s28], [sflag:s8] =	dma.strided [spmem:s16@s29], $0x50, s22, $0x10   }
0xcb: {  	_ =	swait.ge [sflag:s15], $0x50  }
0xcc: {  	[sflag:s15] =	ssyncset.done $0x0  }
0xcd: {  	[sflag:s15] =	ssyncadd.s32 $0xFFFFFFB0  }
0xce: {  	_ =	sfence.sel $0x180000  }
0xcf: {  	[bflag:$0x0] =	sbarrier.arrive $0xFFFF  }
0xd0: {  	_ =	strace $0x90000047  }
0xd1: {  	s0 =	stileid.u32;
	[bflag:$0x2] =	sbarrier.arrive $0xFFFF  }
0xd2: {  	p0 =	sne.s32 s0, $0x0;
	s0 =	rddreg [dreg:$0x4]  }
0xd3: {  	s0 =	sadd.s32 @!p0 $0x100000, s0  }
0xd4: {  	[sflag:s0] =	ssyncadd.tile.s32 @!p0 $0x1;
	_ =	shalt  }
.Lfunc_end2:
_tile_overlayer_lowered:
.L_overlay_start_2:
0xd5: {  	(tag) =	ssettag $0x2  }
0xd6: {  	s0 =	rddreg [dreg:$0x0];
	s2 =	stileid.u32  }
0xd7: {  	s1 =	rddreg [dreg:$0x1];
	p0 =	sne.s32 s2, $0x0  }
0xd8: {  	s3 =	rddreg [dreg:$0x2];
	[bflag:$0x3] =	sbarrier.arrive $0xFFFF;
	s2 =	simm.s32 @!p0 $0x1C03  }
0xd9: {  	[timem:s3], [sflag:s2] =	dma.local @!p0 [hbm:s0], s1  }
0xda: {  	s0 =	simm.s32 @!p0 $0x3  }
0xdb: {  	_ =	swait.ge @!p0 [sflag:s0], s1  }
0xdc: {  	s1 =	ssub.s32 @!p0 $0x0, s1;
	[sflag:s0] =	ssyncset.done @!p0 $0x0  }
0xdd: {  	[sflag:s0] =	ssyncadd.s32 @!p0 s1  }
0xde: {  	[bflag:$0x3] =	sbarrier.arrive $0xFFFF  }
0xdf: {  	_ =	shalt  }

</sc_bundles>
